<compile_context>
chip_gen: v7x
topology: tpu7x:2x2x1
jax: 0.10.2.dev20260603
libtpu: 0.0.44.dev20260713+nightly
codegen_flags: <defaults>
</compile_context>

<pallas_src>
import jax
import jax.numpy as jnp
from jax import lax
from jax.experimental import pallas as pl
from jax.experimental.pallas import tpu as pltpu
from jax.experimental.pallas import tpu_sc as plsc

NCOLS = 26
CARD = 100
NBATCH = 16384
ROW = NCOLS * CARD
NWORKERS = 32
BPW = NBATCH // NWORKERS
LANES = 128
BLK_R = 2 * CARD
NGRP = BPW // LANES
NBLK_R = ROW // BLK_R
NBLK = NGRP * NBLK_R


def _onehot_body(xt_hbm, out_hbm, xt_v, buf0, buf1, sem0, sem1):
    wid = lax.axis_index("s") * 2 + lax.axis_index("c")
    lanes = lax.iota(jnp.int32, 16)
    ones = jnp.full((16,), 1, jnp.int32)
    zeros = jnp.zeros((16,), jnp.int32)

    b0 = wid * BPW
    xcopy = pltpu.async_copy(xt_hbm.at[:, pl.ds(b0, BPW)], xt_v, sem1)

    def zfill(buf):
        def zbody(r, carry):
            for s in range(LANES // 16):
                buf[r, pl.ds(s * 16, 16)] = zeros
            return carry
        lax.fori_loop(0, BLK_R, zbody, 0)

    zfill(buf0)
    xcopy.wait()

    bufs = (buf0, buf1)
    sems = (sem0, sem1)

    def mark(t, buf, val):
        g = t // NBLK_R
        k = t % NBLK_R
        for j in range(2):
            ii = 2 * k + j
            for s in range(LANES // 16):
                xv = xt_v[ii, pl.ds(g * LANES + s * 16, 16)]
                plsc.store_scatter(
                    buf, [j * CARD + xv, s * 16 + lanes], val)

    def _dst(t):
        g = t // NBLK_R
        k = t % NBLK_R
        return out_hbm.at[pl.ds(k * BLK_R, BLK_R),
                          pl.ds(b0 + g * LANES, LANES)]

    def start(t, buf, sem):
        pltpu.async_copy(buf, _dst(t), sem)

    def wait(t, buf, sem):
        pltpu.make_async_copy(buf, _dst(t), sem).wait()

    mark(jnp.int32(0), buf0, ones)
    start(jnp.int32(0), buf0, sem0)
    zfill(buf1)
    mark(jnp.int32(1), buf1, ones)
    start(jnp.int32(1), buf1, sem1)

    def pair_body(p, carry):
        for b in range(2):
            t = p * 2 + b
            wait(t - 2, bufs[b], sems[b])
            mark(t - 2, bufs[b], zeros)
            mark(t, bufs[b], ones)
            start(t, bufs[b], sems[b])
        return carry
    lax.fori_loop(1, NBLK // 2, pair_body, 0)

    for b in range(2):
        wait(jnp.int32(NBLK - 2 + b), bufs[b], sems[b])


def kernel(x):
    xt = x.T
    mesh = plsc.VectorSubcoreMesh(core_axis_name="c", subcore_axis_name="s")
    out_t = pl.kernel(
        _onehot_body,
        out_type=jax.ShapeDtypeStruct((ROW, NBATCH), jnp.int32),
        mesh=mesh,
        compiler_params=pltpu.CompilerParams(
            needs_layout_passes=False, use_tc_tiling_on_sc=True,
            disable_bounds_checks=True, skip_device_barrier=True),
        scratch_types=[
            pltpu.VMEM((NCOLS, BPW), jnp.int32),
            pltpu.VMEM((BLK_R, LANES), jnp.int32),
            pltpu.VMEM((BLK_R, LANES), jnp.int32),
            pltpu.SemaphoreType.DMA,
            pltpu.SemaphoreType.DMA,
        ],
    )(xt)
    return out_t.T

# --- scband reference (transcript-rebuilt; emitter-appended) ---
"""Pipeline reference for scband-one-hot-encoder-9766755631218 (READ-ONLY COPY).

The authoritative reference and input builder live on the scoring server;
editing this copy changes nothing except your own understanding.
"""

import jax, jax.numpy as jnp
import numpy as np

CARDINALITIES = [100] * 26
BATCH = 16384


def setup_inputs(seed: int = 0) -> dict:
    key = jax.random.key(seed)
    x = jax.random.randint(key, (BATCH, len(CARDINALITIES)), 0, 100, dtype=jnp.int32)
    return {"x": x}


def reference(x):
    # Faithful translation of OneHotEncoder.forward:
    #   for each column i, F.one_hot(x[:, i], cardinalities[i]); then concat along dim 1.
    if x.ndim != 2:
        raise ValueError('The input must have two dimensions')
    encoded_columns = []
    for i, c in enumerate(CARDINALITIES):
        col = x[:, i]
        oh = (col[:, None] == jnp.arange(c, dtype=col.dtype)).astype(jnp.int32)
        encoded_columns.append(oh)
    return jnp.concatenate(encoded_columns, axis=1)

if __name__ == "__main__":
    import jax
    _d = setup_inputs()
    print(jax.jit(kernel)(*tuple(_d.values())))

</pallas_src>

<mosaic_0001>
#map = affine_map<(d0, d1) -> (0, 0)>
module attributes {stable_mosaic.version = 14 : i64} {
  func.func @_onehot_body(%arg0: i32, %arg1: i32, %arg2: memref<26x16384xi32, #tpu.memory_space<hbm>>, %arg3: memref<2600x16384xi32, #tpu.memory_space<hbm>>, %arg4: memref<26x512xi32, #tpu.memory_space<vmem>>, %arg5: memref<200x128xi32, #tpu.memory_space<vmem>>, %arg6: memref<200x128xi32, #tpu.memory_space<vmem>>, %arg7: memref<!tpu.dma_semaphore, #tpu.memory_space<semaphore_mem>>, %arg8: memref<!tpu.dma_semaphore, #tpu.memory_space<semaphore_mem>>) attributes {dimension_semantics = [#tpu.dimension_semantics<core_parallel>, #tpu.dimension_semantics<subcore_parallel>], iteration_bounds = array<i64: 2, 16>, scalar_prefetch = 0 : i64, scratch_operands = 5 : i64, tpu.core_type = #tpu.core_type<sc_vector_subcore>, window_params = [{transform_indices = #map}, {transform_indices = #map}]} {
    %mul3A = arith.constant 2 : i32
    %mul3A_0 = arith.muli %arg1, %mul3A : i32
    %add3A = arith.addi %mul3A_0, %arg0 : i32
    %iota3A = tpu.iota {dimensions = array<i32: 0>} : vector<16xi32>
    %broadcast_in_dim3A = arith.constant 1 : i32
    %broadcast_in_dim3A_1 = vector.broadcast %broadcast_in_dim3A : i32 to vector<16xi32>
    %broadcast_in_dim3A_2 = arith.constant 0 : i32
    %broadcast_in_dim3A_3 = vector.broadcast %broadcast_in_dim3A_2 : i32 to vector<16xi32>
    %mul3A_4 = arith.constant 512 : i32
    %mul3A_5 = arith.muli %add3A, %mul3A_4 : i32
    %dma_start3A = arith.constant 0 : i32
    %dma_start3A_6 = tpu.memref_slice %arg2[%dma_start3A, %mul3A_5] : memref<26x16384xi32, #tpu.memory_space<hbm>> -> memref<26x512xi32, #tpu.memory_space<hbm>>
    %dma_start3A_7 = arith.constant 0 : i32
    %dma_start3A_8 = tpu.memref_slice %arg2[%dma_start3A_7, %mul3A_5] : memref<26x16384xi32, #tpu.memory_space<hbm>> -> memref<26x512xi32, #tpu.memory_space<hbm>>
    tpu.enqueue_dma source(%dma_start3A_8 : memref<26x512xi32, #tpu.memory_space<hbm>>) target(%arg4 : memref<26x512xi32, #tpu.memory_space<vmem>>) target_semaphore(%arg8 : memref<!tpu.dma_semaphore, #tpu.memory_space<semaphore_mem>>)
    %scan3A = arith.constant 0 : i32
    %scan3A_9 = arith.constant 0 : i32
    %scan3A_10 = arith.constant 200 : i32
    %scan3A_11 = arith.addi %scan3A_9, %scan3A_10 : i32
    %scan3A_12 = arith.constant 1 : i32
    scf.for %scan3A_730 = %scan3A_9 to %scan3A_11 step %scan3A_12  : i32 {
      %swap3A = arith.index_cast %scan3A_730 : i32 to index
      %swap3A_731 = arith.constant 0 : index
      %swap3A_732 = tpu.vector_load %arg5[%swap3A, %swap3A_731] {strides = array<i32>} : memref<200x128xi32, #tpu.memory_space<vmem>>, vector<16xi32>,
      tpu.vector_store %arg5[%swap3A, %swap3A_731], %broadcast_in_dim3A_3 {strides = array<i32>} : memref<200x128xi32, #tpu.memory_space<vmem>>, vector<16xi32>,
      %swap3A_733 = arith.index_cast %scan3A_730 : i32 to index
      %swap3A_734 = arith.constant 16 : index
      %swap3A_735 = tpu.vector_load %arg5[%swap3A_733, %swap3A_734] {strides = array<i32>} : memref<200x128xi32, #tpu.memory_space<vmem>>, vector<16xi32>,
      tpu.vector_store %arg5[%swap3A_733, %swap3A_734], %broadcast_in_dim3A_3 {strides = array<i32>} : memref<200x128xi32, #tpu.memory_space<vmem>>, vector<16xi32>,
      %swap3A_736 = arith.index_cast %scan3A_730 : i32 to index
      %swap3A_737 = arith.constant 32 : index
      %swap3A_738 = tpu.vector_load %arg5[%swap3A_736, %swap3A_737] {strides = array<i32>} : memref<200x128xi32, #tpu.memory_space<vmem>>, vector<16xi32>,
      tpu.vector_store %arg5[%swap3A_736, %swap3A_737], %broadcast_in_dim3A_3 {strides = array<i32>} : memref<200x128xi32, #tpu.memory_space<vmem>>, vector<16xi32>,
      %swap3A_739 = arith.index_cast %scan3A_730 : i32 to index
      %swap3A_740 = arith.constant 48 : index
      %swap3A_741 = tpu.vector_load %arg5[%swap3A_739, %swap3A_740] {strides = array<i32>} : memref<200x128xi32, #tpu.memory_space<vmem>>, vector<16xi32>,
      tpu.vector_store %arg5[%swap3A_739, %swap3A_740], %broadcast_in_dim3A_3 {strides = array<i32>} : memref<200x128xi32, #tpu.memory_space<vmem>>, vector<16xi32>,
      %swap3A_742 = arith.index_cast %scan3A_730 : i32 to index
      %swap3A_743 = arith.constant 64 : index
      %swap3A_744 = tpu.vector_load %arg5[%swap3A_742, %swap3A_743] {strides = array<i32>} : memref<200x128xi32, #tpu.memory_space<vmem>>, vector<16xi32>,
      tpu.vector_store %arg5[%swap3A_742, %swap3A_743], %broadcast_in_dim3A_3 {strides = array<i32>} : memref<200x128xi32, #tpu.memory_space<vmem>>, vector<16xi32>,
      %swap3A_745 = arith.index_cast %scan3A_730 : i32 to index
      %swap3A_746 = arith.constant 80 : index
      %swap3A_747 = tpu.vector_load %arg5[%swap3A_745, %swap3A_746] {strides = array<i32>} : memref<200x128xi32, #tpu.memory_space<vmem>>, vector<16xi32>,
      tpu.vector_store %arg5[%swap3A_745, %swap3A_746], %broadcast_in_dim3A_3 {strides = array<i32>} : memref<200x128xi32, #tpu.memory_space<vmem>>, vector<16xi32>,
      %swap3A_748 = arith.index_cast %scan3A_730 : i32 to index
      %swap3A_749 = arith.constant 96 : index
      %swap3A_750 = tpu.vector_load %arg5[%swap3A_748, %swap3A_749] {strides = array<i32>} : memref<200x128xi32, #tpu.memory_space<vmem>>, vector<16xi32>,
      tpu.vector_store %arg5[%swap3A_748, %swap3A_749], %broadcast_in_dim3A_3 {strides = array<i32>} : memref<200x128xi32, #tpu.memory_space<vmem>>, vector<16xi32>,
      %swap3A_751 = arith.index_cast %scan3A_730 : i32 to index
      %swap3A_752 = arith.constant 112 : index
      %swap3A_753 = tpu.vector_load %arg5[%swap3A_751, %swap3A_752] {strides = array<i32>} : memref<200x128xi32, #tpu.memory_space<vmem>>, vector<16xi32>,
      tpu.vector_store %arg5[%swap3A_751, %swap3A_752], %broadcast_in_dim3A_3 {strides = array<i32>} : memref<200x128xi32, #tpu.memory_space<vmem>>, vector<16xi32>,
    }
    %scan3A_13 = arith.constant 200 : i32
    %dma_wait3A = arith.constant 0 : i32
    %dma_wait3A_14 = tpu.memref_slice %arg2[%dma_wait3A, %mul3A_5] : memref<26x16384xi32, #tpu.memory_space<hbm>> -> memref<26x512xi32, #tpu.memory_space<hbm>>
    %dma_wait3A_15 = arith.constant 0 : i32
    %dma_wait3A_16 = tpu.memref_slice %arg2[%dma_wait3A_15, %mul3A_5] : memref<26x16384xi32, #tpu.memory_space<hbm>> -> memref<26x512xi32, #tpu.memory_space<hbm>>
    tpu.wait_dma2 semaphore(%arg8 : memref<!tpu.dma_semaphore, #tpu.memory_space<semaphore_mem>>) src(%dma_wait3A_16 : memref<26x512xi32, #tpu.memory_space<hbm>>) dst(%arg4 : memref<26x512xi32, #tpu.memory_space<vmem>>)
    %jit3A = arith.constant 0 : i32
    %jit3A_17 = arith.constant 13 : i32
    %div3A = arith.divsi %jit3A, %jit3A_17 : i32
    %sign3A = arith.constant 0 : i32
    %sign3A_18 = arith.cmpi sgt, %jit3A, %sign3A : i32
    %sign3A_19 = arith.extui %sign3A_18 : i1 to i32
    %sign3A_20 = arith.constant 0 : i32
    %sign3A_21 = arith.cmpi slt, %jit3A, %sign3A_20 : i32
    %sign3A_22 = arith.extui %sign3A_21 : i1 to i32
    %sign3A_23 = arith.subi %sign3A_19, %sign3A_22 : i32
    %sign3A_24 = arith.constant 0 : i32
    %sign3A_25 = arith.cmpi sgt, %jit3A_17, %sign3A_24 : i32
    %sign3A_26 = arith.extui %sign3A_25 : i1 to i32
    %sign3A_27 = arith.constant 0 : i32
    %sign3A_28 = arith.cmpi slt, %jit3A_17, %sign3A_27 : i32
    %sign3A_29 = arith.extui %sign3A_28 : i1 to i32
    %sign3A_30 = arith.subi %sign3A_26, %sign3A_29 : i32
    %ne3A = arith.cmpi ne, %sign3A_23, %sign3A_30 : i32
    %rem3A = arith.remsi %jit3A, %jit3A_17 : i32
    %ne3A_31 = arith.constant 0 : i32
    %ne3A_32 = arith.cmpi ne, %rem3A, %ne3A_31 : i32
    %and3A = arith.andi %ne3A, %ne3A_32 : i1
    %sub3A = arith.constant 1 : i32
    %sub3A_33 = arith.subi %div3A, %sub3A : i32
    %select_n3A = arith.select %and3A, %sub3A_33, %div3A : i32
    %jit3A_34 = arith.constant 0 : i32
    %jit3A_35 = arith.constant 13 : i32
    %eq3A = arith.constant 0 : i32
    %eq3A_36 = arith.cmpi eq, %jit3A_35, %eq3A : i32
    %jit3A_37 = arith.constant 1 : i32
    %select_n3A_38 = arith.select %eq3A_36, %jit3A_37, %jit3A_35 : i32
    %rem3A_39 = arith.remsi %jit3A_34, %select_n3A_38 : i32
    %ne3A_40 = arith.constant 0 : i32
    %ne3A_41 = arith.cmpi ne, %rem3A_39, %ne3A_40 : i32
    %lt3A = arith.constant 0 : i32
    %lt3A_42 = arith.cmpi slt, %rem3A_39, %lt3A : i32
    %lt3A_43 = arith.constant 0 : i32
    %lt3A_44 = arith.cmpi slt, %select_n3A_38, %lt3A_43 : i32
    %ne3A_45 = arith.xori %lt3A_42, %lt3A_44 : i1
    %and3A_46 = arith.andi %ne3A_45, %ne3A_41 : i1
    %add3A_47 = arith.addi %rem3A_39, %select_n3A_38 : i32
    %select_n3A_48 = arith.select %and3A_46, %add3A_47, %rem3A_39 : i32
    %mul3A_49 = arith.constant 2 : i32
    %mul3A_50 = arith.muli %mul3A_49, %select_n3A_48 : i32
    %add3A_51 = arith.constant 0 : i32
    %add3A_52 = arith.addi %mul3A_50, %add3A_51 : i32
    %mul3A_53 = arith.constant 128 : i32
    %mul3A_54 = arith.muli %select_n3A, %mul3A_53 : i32
    %add3A_55 = arith.constant 0 : i32
    %add3A_56 = arith.addi %mul3A_54, %add3A_55 : i32
    %get3A = arith.index_cast %add3A_52 : i32 to index
    %get3A_57 = arith.index_cast %add3A_56 : i32 to index
    %get3A_58 = tpu.vector_load %arg4[%get3A, %get3A_57] {strides = array<i32>} : memref<26x512xi32, #tpu.memory_space<vmem>>, vector<16xi32>,
    %add3A_59 = arith.constant 0 : i32
    %add3A_60 = vector.broadcast %add3A_59 : i32 to vector<16xi32>
    %add3A_61 = arith.addi %add3A_60, %get3A_58 : vector<16xi32>
    %add3A_62 = arith.constant 0 : i32
    %add3A_63 = vector.broadcast %add3A_62 : i32 to vector<16xi32>
    %add3A_64 = arith.addi %add3A_63, %iota3A : vector<16xi32>
    tpu.vector_store_idx %arg5[%add3A_61, %add3A_64], %broadcast_in_dim3A_1 : memref<200x128xi32, #tpu.memory_space<vmem>>[vector<16xi32>, vector<16xi32>], vector<16xi32>,
    %mul3A_65 = arith.constant 128 : i32
    %mul3A_66 = arith.muli %select_n3A, %mul3A_65 : i32
    %add3A_67 = arith.constant 16 : i32
    %add3A_68 = arith.addi %mul3A_66, %add3A_67 : i32
    %get3A_69 = arith.index_cast %add3A_52 : i32 to index
    %get3A_70 = arith.index_cast %add3A_68 : i32 to index
    %get3A_71 = tpu.vector_load %arg4[%get3A_69, %get3A_70] {strides = array<i32>} : memref<26x512xi32, #tpu.memory_space<vmem>>, vector<16xi32>,
    %add3A_72 = arith.constant 0 : i32
    %add3A_73 = vector.broadcast %add3A_72 : i32 to vector<16xi32>
    %add3A_74 = arith.addi %add3A_73, %get3A_71 : vector<16xi32>
    %add3A_75 = arith.constant 16 : i32
    %add3A_76 = vector.broadcast %add3A_75 : i32 to vector<16xi32>
    %add3A_77 = arith.addi %add3A_76, %iota3A : vector<16xi32>
    tpu.vector_store_idx %arg5[%add3A_74, %add3A_77], %broadcast_in_dim3A_1 : memref<200x128xi32, #tpu.memory_space<vmem>>[vector<16xi32>, vector<16xi32>], vector<16xi32>,
    %mul3A_78 = arith.constant 128 : i32
    %mul3A_79 = arith.muli %select_n3A, %mul3A_78 : i32
    %add3A_80 = arith.constant 32 : i32
    %add3A_81 = arith.addi %mul3A_79, %add3A_80 : i32
    %get3A_82 = arith.index_cast %add3A_52 : i32 to index
    %get3A_83 = arith.index_cast %add3A_81 : i32 to index
    %get3A_84 = tpu.vector_load %arg4[%get3A_82, %get3A_83] {strides = array<i32>} : memref<26x512xi32, #tpu.memory_space<vmem>>, vector<16xi32>,
    %add3A_85 = arith.constant 0 : i32
    %add3A_86 = vector.broadcast %add3A_85 : i32 to vector<16xi32>
    %add3A_87 = arith.addi %add3A_86, %get3A_84 : vector<16xi32>
    %add3A_88 = arith.constant 32 : i32
    %add3A_89 = vector.broadcast %add3A_88 : i32 to vector<16xi32>
    %add3A_90 = arith.addi %add3A_89, %iota3A : vector<16xi32>
    tpu.vector_store_idx %arg5[%add3A_87, %add3A_90], %broadcast_in_dim3A_1 : memref<200x128xi32, #tpu.memory_space<vmem>>[vector<16xi32>, vector<16xi32>], vector<16xi32>,
    %mul3A_91 = arith.constant 128 : i32
    %mul3A_92 = arith.muli %select_n3A, %mul3A_91 : i32
    %add3A_93 = arith.constant 48 : i32
    %add3A_94 = arith.addi %mul3A_92, %add3A_93 : i32
    %get3A_95 = arith.index_cast %add3A_52 : i32 to index
    %get3A_96 = arith.index_cast %add3A_94 : i32 to index
    %get3A_97 = tpu.vector_load %arg4[%get3A_95, %get3A_96] {strides = array<i32>} : memref<26x512xi32, #tpu.memory_space<vmem>>, vector<16xi32>,
    %add3A_98 = arith.constant 0 : i32
    %add3A_99 = vector.broadcast %add3A_98 : i32 to vector<16xi32>
    %add3A_100 = arith.addi %add3A_99, %get3A_97 : vector<16xi32>
    %add3A_101 = arith.constant 48 : i32
    %add3A_102 = vector.broadcast %add3A_101 : i32 to vector<16xi32>
    %add3A_103 = arith.addi %add3A_102, %iota3A : vector<16xi32>
    tpu.vector_store_idx %arg5[%add3A_100, %add3A_103], %broadcast_in_dim3A_1 : memref<200x128xi32, #tpu.memory_space<vmem>>[vector<16xi32>, vector<16xi32>], vector<16xi32>,
    %mul3A_104 = arith.constant 128 : i32
    %mul3A_105 = arith.muli %select_n3A, %mul3A_104 : i32
    %add3A_106 = arith.constant 64 : i32
    %add3A_107 = arith.addi %mul3A_105, %add3A_106 : i32
    %get3A_108 = arith.index_cast %add3A_52 : i32 to index
    %get3A_109 = arith.index_cast %add3A_107 : i32 to index
    %get3A_110 = tpu.vector_load %arg4[%get3A_108, %get3A_109] {strides = array<i32>} : memref<26x512xi32, #tpu.memory_space<vmem>>, vector<16xi32>,
    %add3A_111 = arith.constant 0 : i32
    %add3A_112 = vector.broadcast %add3A_111 : i32 to vector<16xi32>
    %add3A_113 = arith.addi %add3A_112, %get3A_110 : vector<16xi32>
    %add3A_114 = arith.constant 64 : i32
    %add3A_115 = vector.broadcast %add3A_114 : i32 to vector<16xi32>
    %add3A_116 = arith.addi %add3A_115, %iota3A : vector<16xi32>
    tpu.vector_store_idx %arg5[%add3A_113, %add3A_116], %broadcast_in_dim3A_1 : memref<200x128xi32, #tpu.memory_space<vmem>>[vector<16xi32>, vector<16xi32>], vector<16xi32>,
    %mul3A_117 = arith.constant 128 : i32
    %mul3A_118 = arith.muli %select_n3A, %mul3A_117 : i32
    %add3A_119 = arith.constant 80 : i32
    %add3A_120 = arith.addi %mul3A_118, %add3A_119 : i32
    %get3A_121 = arith.index_cast %add3A_52 : i32 to index
    %get3A_122 = arith.index_cast %add3A_120 : i32 to index
    %get3A_123 = tpu.vector_load %arg4[%get3A_121, %get3A_122] {strides = array<i32>} : memref<26x512xi32, #tpu.memory_space<vmem>>, vector<16xi32>,
    %add3A_124 = arith.constant 0 : i32
    %add3A_125 = vector.broadcast %add3A_124 : i32 to vector<16xi32>
    %add3A_126 = arith.addi %add3A_125, %get3A_123 : vector<16xi32>
    %add3A_127 = arith.constant 80 : i32
    %add3A_128 = vector.broadcast %add3A_127 : i32 to vector<16xi32>
    %add3A_129 = arith.addi %add3A_128, %iota3A : vector<16xi32>
    tpu.vector_store_idx %arg5[%add3A_126, %add3A_129], %broadcast_in_dim3A_1 : memref<200x128xi32, #tpu.memory_space<vmem>>[vector<16xi32>, vector<16xi32>], vector<16xi32>,
    %mul3A_130 = arith.constant 128 : i32
    %mul3A_131 = arith.muli %select_n3A, %mul3A_130 : i32
    %add3A_132 = arith.constant 96 : i32
    %add3A_133 = arith.addi %mul3A_131, %add3A_132 : i32
    %get3A_134 = arith.index_cast %add3A_52 : i32 to index
    %get3A_135 = arith.index_cast %add3A_133 : i32 to index
    %get3A_136 = tpu.vector_load %arg4[%get3A_134, %get3A_135] {strides = array<i32>} : memref<26x512xi32, #tpu.memory_space<vmem>>, vector<16xi32>,
    %add3A_137 = arith.constant 0 : i32
    %add3A_138 = vector.broadcast %add3A_137 : i32 to vector<16xi32>
    %add3A_139 = arith.addi %add3A_138, %get3A_136 : vector<16xi32>
    %add3A_140 = arith.constant 96 : i32
    %add3A_141 = vector.broadcast %add3A_140 : i32 to vector<16xi32>
    %add3A_142 = arith.addi %add3A_141, %iota3A : vector<16xi32>
    tpu.vector_store_idx %arg5[%add3A_139, %add3A_142], %broadcast_in_dim3A_1 : memref<200x128xi32, #tpu.memory_space<vmem>>[vector<16xi32>, vector<16xi32>], vector<16xi32>,
    %mul3A_143 = arith.constant 128 : i32
    %mul3A_144 = arith.muli %select_n3A, %mul3A_143 : i32
    %add3A_145 = arith.constant 112 : i32
    %add3A_146 = arith.addi %mul3A_144, %add3A_145 : i32
    %get3A_147 = arith.index_cast %add3A_52 : i32 to index
    %get3A_148 = arith.index_cast %add3A_146 : i32 to index
    %get3A_149 = tpu.vector_load %arg4[%get3A_147, %get3A_148] {strides = array<i32>} : memref<26x512xi32, #tpu.memory_space<vmem>>, vector<16xi32>,
    %add3A_150 = arith.constant 0 : i32
    %add3A_151 = vector.broadcast %add3A_150 : i32 to vector<16xi32>
    %add3A_152 = arith.addi %add3A_151, %get3A_149 : vector<16xi32>
    %add3A_153 = arith.constant 112 : i32
    %add3A_154 = vector.broadcast %add3A_153 : i32 to vector<16xi32>
    %add3A_155 = arith.addi %add3A_154, %iota3A : vector<16xi32>
    tpu.vector_store_idx %arg5[%add3A_152, %add3A_155], %broadcast_in_dim3A_1 : memref<200x128xi32, #tpu.memory_space<vmem>>[vector<16xi32>, vector<16xi32>], vector<16xi32>,
    %mul3A_156 = arith.constant 2 : i32
    %mul3A_157 = arith.muli %mul3A_156, %select_n3A_48 : i32
    %add3A_158 = arith.constant 1 : i32
    %add3A_159 = arith.addi %mul3A_157, %add3A_158 : i32
    %mul3A_160 = arith.constant 128 : i32
    %mul3A_161 = arith.muli %select_n3A, %mul3A_160 : i32
    %add3A_162 = arith.constant 0 : i32
    %add3A_163 = arith.addi %mul3A_161, %add3A_162 : i32
    %get3A_164 = arith.index_cast %add3A_159 : i32 to index
    %get3A_165 = arith.index_cast %add3A_163 : i32 to index
    %get3A_166 = tpu.vector_load %arg4[%get3A_164, %get3A_165] {strides = array<i32>} : memref<26x512xi32, #tpu.memory_space<vmem>>, vector<16xi32>,
    %add3A_167 = arith.constant 100 : i32
    %add3A_168 = vector.broadcast %add3A_167 : i32 to vector<16xi32>
    %add3A_169 = arith.addi %add3A_168, %get3A_166 : vector<16xi32>
    %add3A_170 = arith.constant 0 : i32
    %add3A_171 = vector.broadcast %add3A_170 : i32 to vector<16xi32>
    %add3A_172 = arith.addi %add3A_171, %iota3A : vector<16xi32>
    tpu.vector_store_idx %arg5[%add3A_169, %add3A_172], %broadcast_in_dim3A_1 : memref<200x128xi32, #tpu.memory_space<vmem>>[vector<16xi32>, vector<16xi32>], vector<16xi32>,
    %mul3A_173 = arith.constant 128 : i32
    %mul3A_174 = arith.muli %select_n3A, %mul3A_173 : i32
    %add3A_175 = arith.constant 16 : i32
    %add3A_176 = arith.addi %mul3A_174, %add3A_175 : i32
    %get3A_177 = arith.index_cast %add3A_159 : i32 to index
    %get3A_178 = arith.index_cast %add3A_176 : i32 to index
    %get3A_179 = tpu.vector_load %arg4[%get3A_177, %get3A_178] {strides = array<i32>} : memref<26x512xi32, #tpu.memory_space<vmem>>, vector<16xi32>,
    %add3A_180 = arith.constant 100 : i32
    %add3A_181 = vector.broadcast %add3A_180 : i32 to vector<16xi32>
    %add3A_182 = arith.addi %add3A_181, %get3A_179 : vector<16xi32>
    %add3A_183 = arith.constant 16 : i32
    %add3A_184 = vector.broadcast %add3A_183 : i32 to vector<16xi32>
    %add3A_185 = arith.addi %add3A_184, %iota3A : vector<16xi32>
    tpu.vector_store_idx %arg5[%add3A_182, %add3A_185], %broadcast_in_dim3A_1 : memref<200x128xi32, #tpu.memory_space<vmem>>[vector<16xi32>, vector<16xi32>], vector<16xi32>,
    %mul3A_186 = arith.constant 128 : i32
    %mul3A_187 = arith.muli %select_n3A, %mul3A_186 : i32
    %add3A_188 = arith.constant 32 : i32
    %add3A_189 = arith.addi %mul3A_187, %add3A_188 : i32
    %get3A_190 = arith.index_cast %add3A_159 : i32 to index
    %get3A_191 = arith.index_cast %add3A_189 : i32 to index
    %get3A_192 = tpu.vector_load %arg4[%get3A_190, %get3A_191] {strides = array<i32>} : memref<26x512xi32, #tpu.memory_space<vmem>>, vector<16xi32>,
    %add3A_193 = arith.constant 100 : i32
    %add3A_194 = vector.broadcast %add3A_193 : i32 to vector<16xi32>
    %add3A_195 = arith.addi %add3A_194, %get3A_192 : vector<16xi32>
    %add3A_196 = arith.constant 32 : i32
    %add3A_197 = vector.broadcast %add3A_196 : i32 to vector<16xi32>
    %add3A_198 = arith.addi %add3A_197, %iota3A : vector<16xi32>
    tpu.vector_store_idx %arg5[%add3A_195, %add3A_198], %broadcast_in_dim3A_1 : memref<200x128xi32, #tpu.memory_space<vmem>>[vector<16xi32>, vector<16xi32>], vector<16xi32>,
    %mul3A_199 = arith.constant 128 : i32
    %mul3A_200 = arith.muli %select_n3A, %mul3A_199 : i32
    %add3A_201 = arith.constant 48 : i32
    %add3A_202 = arith.addi %mul3A_200, %add3A_201 : i32
    %get3A_203 = arith.index_cast %add3A_159 : i32 to index
    %get3A_204 = arith.index_cast %add3A_202 : i32 to index
    %get3A_205 = tpu.vector_load %arg4[%get3A_203, %get3A_204] {strides = array<i32>} : memref<26x512xi32, #tpu.memory_space<vmem>>, vector<16xi32>,
    %add3A_206 = arith.constant 100 : i32
    %add3A_207 = vector.broadcast %add3A_206 : i32 to vector<16xi32>
    %add3A_208 = arith.addi %add3A_207, %get3A_205 : vector<16xi32>
    %add3A_209 = arith.constant 48 : i32
    %add3A_210 = vector.broadcast %add3A_209 : i32 to vector<16xi32>
    %add3A_211 = arith.addi %add3A_210, %iota3A : vector<16xi32>
    tpu.vector_store_idx %arg5[%add3A_208, %add3A_211], %broadcast_in_dim3A_1 : memref<200x128xi32, #tpu.memory_space<vmem>>[vector<16xi32>, vector<16xi32>], vector<16xi32>,
    %mul3A_212 = arith.constant 128 : i32
    %mul3A_213 = arith.muli %select_n3A, %mul3A_212 : i32
    %add3A_214 = arith.constant 64 : i32
    %add3A_215 = arith.addi %mul3A_213, %add3A_214 : i32
    %get3A_216 = arith.index_cast %add3A_159 : i32 to index
    %get3A_217 = arith.index_cast %add3A_215 : i32 to index
    %get3A_218 = tpu.vector_load %arg4[%get3A_216, %get3A_217] {strides = array<i32>} : memref<26x512xi32, #tpu.memory_space<vmem>>, vector<16xi32>,
    %add3A_219 = arith.constant 100 : i32
    %add3A_220 = vector.broadcast %add3A_219 : i32 to vector<16xi32>
    %add3A_221 = arith.addi %add3A_220, %get3A_218 : vector<16xi32>
    %add3A_222 = arith.constant 64 : i32
    %add3A_223 = vector.broadcast %add3A_222 : i32 to vector<16xi32>
    %add3A_224 = arith.addi %add3A_223, %iota3A : vector<16xi32>
    tpu.vector_store_idx %arg5[%add3A_221, %add3A_224], %broadcast_in_dim3A_1 : memref<200x128xi32, #tpu.memory_space<vmem>>[vector<16xi32>, vector<16xi32>], vector<16xi32>,
    %mul3A_225 = arith.constant 128 : i32
    %mul3A_226 = arith.muli %select_n3A, %mul3A_225 : i32
    %add3A_227 = arith.constant 80 : i32
    %add3A_228 = arith.addi %mul3A_226, %add3A_227 : i32
    %get3A_229 = arith.index_cast %add3A_159 : i32 to index
    %get3A_230 = arith.index_cast %add3A_228 : i32 to index
    %get3A_231 = tpu.vector_load %arg4[%get3A_229, %get3A_230] {strides = array<i32>} : memref<26x512xi32, #tpu.memory_space<vmem>>, vector<16xi32>,
    %add3A_232 = arith.constant 100 : i32
    %add3A_233 = vector.broadcast %add3A_232 : i32 to vector<16xi32>
    %add3A_234 = arith.addi %add3A_233, %get3A_231 : vector<16xi32>
    %add3A_235 = arith.constant 80 : i32
    %add3A_236 = vector.broadcast %add3A_235 : i32 to vector<16xi32>
    %add3A_237 = arith.addi %add3A_236, %iota3A : vector<16xi32>
    tpu.vector_store_idx %arg5[%add3A_234, %add3A_237], %broadcast_in_dim3A_1 : memref<200x128xi32, #tpu.memory_space<vmem>>[vector<16xi32>, vector<16xi32>], vector<16xi32>,
    %mul3A_238 = arith.constant 128 : i32
    %mul3A_239 = arith.muli %select_n3A, %mul3A_238 : i32
    %add3A_240 = arith.constant 96 : i32
    %add3A_241 = arith.addi %mul3A_239, %add3A_240 : i32
    %get3A_242 = arith.index_cast %add3A_159 : i32 to index
    %get3A_243 = arith.index_cast %add3A_241 : i32 to index
    %get3A_244 = tpu.vector_load %arg4[%get3A_242, %get3A_243] {strides = array<i32>} : memref<26x512xi32, #tpu.memory_space<vmem>>, vector<16xi32>,
    %add3A_245 = arith.constant 100 : i32
    %add3A_246 = vector.broadcast %add3A_245 : i32 to vector<16xi32>
    %add3A_247 = arith.addi %add3A_246, %get3A_244 : vector<16xi32>
    %add3A_248 = arith.constant 96 : i32
    %add3A_249 = vector.broadcast %add3A_248 : i32 to vector<16xi32>
    %add3A_250 = arith.addi %add3A_249, %iota3A : vector<16xi32>
    tpu.vector_store_idx %arg5[%add3A_247, %add3A_250], %broadcast_in_dim3A_1 : memref<200x128xi32, #tpu.memory_space<vmem>>[vector<16xi32>, vector<16xi32>], vector<16xi32>,
    %mul3A_251 = arith.constant 128 : i32
    %mul3A_252 = arith.muli %select_n3A, %mul3A_251 : i32
    %add3A_253 = arith.constant 112 : i32
    %add3A_254 = arith.addi %mul3A_252, %add3A_253 : i32
    %get3A_255 = arith.index_cast %add3A_159 : i32 to index
    %get3A_256 = arith.index_cast %add3A_254 : i32 to index
    %get3A_257 = tpu.vector_load %arg4[%get3A_255, %get3A_256] {strides = array<i32>} : memref<26x512xi32, #tpu.memory_space<vmem>>, vector<16xi32>,
    %add3A_258 = arith.constant 100 : i32
    %add3A_259 = vector.broadcast %add3A_258 : i32 to vector<16xi32>
    %add3A_260 = arith.addi %add3A_259, %get3A_257 : vector<16xi32>
    %add3A_261 = arith.constant 112 : i32
    %add3A_262 = vector.broadcast %add3A_261 : i32 to vector<16xi32>
    %add3A_263 = arith.addi %add3A_262, %iota3A : vector<16xi32>
    tpu.vector_store_idx %arg5[%add3A_260, %add3A_263], %broadcast_in_dim3A_1 : memref<200x128xi32, #tpu.memory_space<vmem>>[vector<16xi32>, vector<16xi32>], vector<16xi32>,
    %jit3A_264 = arith.constant 0 : i32
    %jit3A_265 = arith.constant 13 : i32
    %div3A_266 = arith.divsi %jit3A_264, %jit3A_265 : i32
    %sign3A_267 = arith.constant 0 : i32
    %sign3A_268 = arith.cmpi sgt, %jit3A_264, %sign3A_267 : i32
    %sign3A_269 = arith.extui %sign3A_268 : i1 to i32
    %sign3A_270 = arith.constant 0 : i32
    %sign3A_271 = arith.cmpi slt, %jit3A_264, %sign3A_270 : i32
    %sign3A_272 = arith.extui %sign3A_271 : i1 to i32
    %sign3A_273 = arith.subi %sign3A_269, %sign3A_272 : i32
    %sign3A_274 = arith.constant 0 : i32
    %sign3A_275 = arith.cmpi sgt, %jit3A_265, %sign3A_274 : i32
    %sign3A_276 = arith.extui %sign3A_275 : i1 to i32
    %sign3A_277 = arith.constant 0 : i32
    %sign3A_278 = arith.cmpi slt, %jit3A_265, %sign3A_277 : i32
    %sign3A_279 = arith.extui %sign3A_278 : i1 to i32
    %sign3A_280 = arith.subi %sign3A_276, %sign3A_279 : i32
    %ne3A_281 = arith.cmpi ne, %sign3A_273, %sign3A_280 : i32
    %rem3A_282 = arith.remsi %jit3A_264, %jit3A_265 : i32
    %ne3A_283 = arith.constant 0 : i32
    %ne3A_284 = arith.cmpi ne, %rem3A_282, %ne3A_283 : i32
    %and3A_285 = arith.andi %ne3A_281, %ne3A_284 : i1
    %sub3A_286 = arith.constant 1 : i32
    %sub3A_287 = arith.subi %div3A_266, %sub3A_286 : i32
    %select_n3A_288 = arith.select %and3A_285, %sub3A_287, %div3A_266 : i32
    %jit3A_289 = arith.constant 0 : i32
    %jit3A_290 = arith.constant 13 : i32
    %eq3A_291 = arith.constant 0 : i32
    %eq3A_292 = arith.cmpi eq, %jit3A_290, %eq3A_291 : i32
    %jit3A_293 = arith.constant 1 : i32
    %select_n3A_294 = arith.select %eq3A_292, %jit3A_293, %jit3A_290 : i32
    %rem3A_295 = arith.remsi %jit3A_289, %select_n3A_294 : i32
    %ne3A_296 = arith.constant 0 : i32
    %ne3A_297 = arith.cmpi ne, %rem3A_295, %ne3A_296 : i32
    %lt3A_298 = arith.constant 0 : i32
    %lt3A_299 = arith.cmpi slt, %rem3A_295, %lt3A_298 : i32
    %lt3A_300 = arith.constant 0 : i32
    %lt3A_301 = arith.cmpi slt, %select_n3A_294, %lt3A_300 : i32
    %ne3A_302 = arith.xori %lt3A_299, %lt3A_301 : i1
    %and3A_303 = arith.andi %ne3A_302, %ne3A_297 : i1
    %add3A_304 = arith.addi %rem3A_295, %select_n3A_294 : i32
    %select_n3A_305 = arith.select %and3A_303, %add3A_304, %rem3A_295 : i32
    %mul3A_306 = arith.constant 200 : i32
    %mul3A_307 = arith.muli %select_n3A_305, %mul3A_306 : i32
    %mul3A_308 = arith.constant 128 : i32
    %mul3A_309 = arith.muli %select_n3A_288, %mul3A_308 : i32
    %add3A_310 = arith.addi %mul3A_5, %mul3A_309 : i32
    %dma_start3A_311 = tpu.memref_slice %arg3[%mul3A_307, %add3A_310] : memref<2600x16384xi32, #tpu.memory_space<hbm>> -> memref<200x128xi32, #tpu.memory_space<hbm>>
    %dma_start3A_312 = tpu.memref_slice %arg3[%mul3A_307, %add3A_310] : memref<2600x16384xi32, #tpu.memory_space<hbm>> -> memref<200x128xi32, #tpu.memory_space<hbm>>
    tpu.enqueue_dma source(%arg5 : memref<200x128xi32, #tpu.memory_space<vmem>>) target(%dma_start3A_312 : memref<200x128xi32, #tpu.memory_space<hbm>>) target_semaphore(%arg7 : memref<!tpu.dma_semaphore, #tpu.memory_space<semaphore_mem>>)
    %scan3A_313 = arith.constant 0 : i32
    %scan3A_314 = arith.constant 0 : i32
    %scan3A_315 = arith.constant 200 : i32
    %scan3A_316 = arith.addi %scan3A_314, %scan3A_315 : i32
    %scan3A_317 = arith.constant 1 : i32
    scf.for %scan3A_730 = %scan3A_314 to %scan3A_316 step %scan3A_317  : i32 {
      %swap3A = arith.index_cast %scan3A_730 : i32 to index
      %swap3A_731 = arith.constant 0 : index
      %swap3A_732 = tpu.vector_load %arg6[%swap3A, %swap3A_731] {strides = array<i32>} : memref<200x128xi32, #tpu.memory_space<vmem>>, vector<16xi32>,
      tpu.vector_store %arg6[%swap3A, %swap3A_731], %broadcast_in_dim3A_3 {strides = array<i32>} : memref<200x128xi32, #tpu.memory_space<vmem>>, vector<16xi32>,
      %swap3A_733 = arith.index_cast %scan3A_730 : i32 to index
      %swap3A_734 = arith.constant 16 : index
      %swap3A_735 = tpu.vector_load %arg6[%swap3A_733, %swap3A_734] {strides = array<i32>} : memref<200x128xi32, #tpu.memory_space<vmem>>, vector<16xi32>,
      tpu.vector_store %arg6[%swap3A_733, %swap3A_734], %broadcast_in_dim3A_3 {strides = array<i32>} : memref<200x128xi32, #tpu.memory_space<vmem>>, vector<16xi32>,
      %swap3A_736 = arith.index_cast %scan3A_730 : i32 to index
      %swap3A_737 = arith.constant 32 : index
      %swap3A_738 = tpu.vector_load %arg6[%swap3A_736, %swap3A_737] {strides = array<i32>} : memref<200x128xi32, #tpu.memory_space<vmem>>, vector<16xi32>,
      tpu.vector_store %arg6[%swap3A_736, %swap3A_737], %broadcast_in_dim3A_3 {strides = array<i32>} : memref<200x128xi32, #tpu.memory_space<vmem>>, vector<16xi32>,
      %swap3A_739 = arith.index_cast %scan3A_730 : i32 to index
      %swap3A_740 = arith.constant 48 : index
      %swap3A_741 = tpu.vector_load %arg6[%swap3A_739, %swap3A_740] {strides = array<i32>} : memref<200x128xi32, #tpu.memory_space<vmem>>, vector<16xi32>,
      tpu.vector_store %arg6[%swap3A_739, %swap3A_740], %broadcast_in_dim3A_3 {strides = array<i32>} : memref<200x128xi32, #tpu.memory_space<vmem>>, vector<16xi32>,
      %swap3A_742 = arith.index_cast %scan3A_730 : i32 to index
      %swap3A_743 = arith.constant 64 : index
      %swap3A_744 = tpu.vector_load %arg6[%swap3A_742, %swap3A_743] {strides = array<i32>} : memref<200x128xi32, #tpu.memory_space<vmem>>, vector<16xi32>,
      tpu.vector_store %arg6[%swap3A_742, %swap3A_743], %broadcast_in_dim3A_3 {strides = array<i32>} : memref<200x128xi32, #tpu.memory_space<vmem>>, vector<16xi32>,
      %swap3A_745 = arith.index_cast %scan3A_730 : i32 to index
      %swap3A_746 = arith.constant 80 : index
      %swap3A_747 = tpu.vector_load %arg6[%swap3A_745, %swap3A_746] {strides = array<i32>} : memref<200x128xi32, #tpu.memory_space<vmem>>, vector<16xi32>,
      tpu.vector_store %arg6[%swap3A_745, %swap3A_746], %broadcast_in_dim3A_3 {strides = array<i32>} : memref<200x128xi32, #tpu.memory_space<vmem>>, vector<16xi32>,
      %swap3A_748 = arith.index_cast %scan3A_730 : i32 to index
      %swap3A_749 = arith.constant 96 : index
      %swap3A_750 = tpu.vector_load %arg6[%swap3A_748, %swap3A_749] {strides = array<i32>} : memref<200x128xi32, #tpu.memory_space<vmem>>, vector<16xi32>,
      tpu.vector_store %arg6[%swap3A_748, %swap3A_749], %broadcast_in_dim3A_3 {strides = array<i32>} : memref<200x128xi32, #tpu.memory_space<vmem>>, vector<16xi32>,
      %swap3A_751 = arith.index_cast %scan3A_730 : i32 to index
      %swap3A_752 = arith.constant 112 : index
      %swap3A_753 = tpu.vector_load %arg6[%swap3A_751, %swap3A_752] {strides = array<i32>} : memref<200x128xi32, #tpu.memory_space<vmem>>, vector<16xi32>,
      tpu.vector_store %arg6[%swap3A_751, %swap3A_752], %broadcast_in_dim3A_3 {strides = array<i32>} : memref<200x128xi32, #tpu.memory_space<vmem>>, vector<16xi32>,
    }
    %scan3A_318 = arith.constant 200 : i32
    %jit3A_319 = arith.constant 1 : i32
    %jit3A_320 = arith.constant 13 : i32
    %div3A_321 = arith.divsi %jit3A_319, %jit3A_320 : i32
    %sign3A_322 = arith.constant 0 : i32
    %sign3A_323 = arith.cmpi sgt, %jit3A_319, %sign3A_322 : i32
    %sign3A_324 = arith.extui %sign3A_323 : i1 to i32
    %sign3A_325 = arith.constant 0 : i32
    %sign3A_326 = arith.cmpi slt, %jit3A_319, %sign3A_325 : i32
    %sign3A_327 = arith.extui %sign3A_326 : i1 to i32
    %sign3A_328 = arith.subi %sign3A_324, %sign3A_327 : i32
    %sign3A_329 = arith.constant 0 : i32
    %sign3A_330 = arith.cmpi sgt, %jit3A_320, %sign3A_329 : i32
    %sign3A_331 = arith.extui %sign3A_330 : i1 to i32
    %sign3A_332 = arith.constant 0 : i32
    %sign3A_333 = arith.cmpi slt, %jit3A_320, %sign3A_332 : i32
    %sign3A_334 = arith.extui %sign3A_333 : i1 to i32
    %sign3A_335 = arith.subi %sign3A_331, %sign3A_334 : i32
    %ne3A_336 = arith.cmpi ne, %sign3A_328, %sign3A_335 : i32
    %rem3A_337 = arith.remsi %jit3A_319, %jit3A_320 : i32
    %ne3A_338 = arith.constant 0 : i32
    %ne3A_339 = arith.cmpi ne, %rem3A_337, %ne3A_338 : i32
    %and3A_340 = arith.andi %ne3A_336, %ne3A_339 : i1
    %sub3A_341 = arith.constant 1 : i32
    %sub3A_342 = arith.subi %div3A_321, %sub3A_341 : i32
    %select_n3A_343 = arith.select %and3A_340, %sub3A_342, %div3A_321 : i32
    %jit3A_344 = arith.constant 1 : i32
    %jit3A_345 = arith.constant 13 : i32
    %eq3A_346 = arith.constant 0 : i32
    %eq3A_347 = arith.cmpi eq, %jit3A_345, %eq3A_346 : i32
    %jit3A_348 = arith.constant 1 : i32
    %select_n3A_349 = arith.select %eq3A_347, %jit3A_348, %jit3A_345 : i32
    %rem3A_350 = arith.remsi %jit3A_344, %select_n3A_349 : i32
    %ne3A_351 = arith.constant 0 : i32
    %ne3A_352 = arith.cmpi ne, %rem3A_350, %ne3A_351 : i32
    %lt3A_353 = arith.constant 0 : i32
    %lt3A_354 = arith.cmpi slt, %rem3A_350, %lt3A_353 : i32
    %lt3A_355 = arith.constant 0 : i32
    %lt3A_356 = arith.cmpi slt, %select_n3A_349, %lt3A_355 : i32
    %ne3A_357 = arith.xori %lt3A_354, %lt3A_356 : i1
    %and3A_358 = arith.andi %ne3A_357, %ne3A_352 : i1
    %add3A_359 = arith.addi %rem3A_350, %select_n3A_349 : i32
    %select_n3A_360 = arith.select %and3A_358, %add3A_359, %rem3A_350 : i32
    %mul3A_361 = arith.constant 2 : i32
    %mul3A_362 = arith.muli %mul3A_361, %select_n3A_360 : i32
    %add3A_363 = arith.constant 0 : i32
    %add3A_364 = arith.addi %mul3A_362, %add3A_363 : i32
    %mul3A_365 = arith.constant 128 : i32
    %mul3A_366 = arith.muli %select_n3A_343, %mul3A_365 : i32
    %add3A_367 = arith.constant 0 : i32
    %add3A_368 = arith.addi %mul3A_366, %add3A_367 : i32
    %get3A_369 = arith.index_cast %add3A_364 : i32 to index
    %get3A_370 = arith.index_cast %add3A_368 : i32 to index
    %get3A_371 = tpu.vector_load %arg4[%get3A_369, %get3A_370] {strides = array<i32>} : memref<26x512xi32, #tpu.memory_space<vmem>>, vector<16xi32>,
    %add3A_372 = arith.constant 0 : i32
    %add3A_373 = vector.broadcast %add3A_372 : i32 to vector<16xi32>
    %add3A_374 = arith.addi %add3A_373, %get3A_371 : vector<16xi32>
    %add3A_375 = arith.constant 0 : i32
    %add3A_376 = vector.broadcast %add3A_375 : i32 to vector<16xi32>
    %add3A_377 = arith.addi %add3A_376, %iota3A : vector<16xi32>
    tpu.vector_store_idx %arg6[%add3A_374, %add3A_377], %broadcast_in_dim3A_1 : memref<200x128xi32, #tpu.memory_space<vmem>>[vector<16xi32>, vector<16xi32>], vector<16xi32>,
    %mul3A_378 = arith.constant 128 : i32
    %mul3A_379 = arith.muli %select_n3A_343, %mul3A_378 : i32
    %add3A_380 = arith.constant 16 : i32
    %add3A_381 = arith.addi %mul3A_379, %add3A_380 : i32
    %get3A_382 = arith.index_cast %add3A_364 : i32 to index
    %get3A_383 = arith.index_cast %add3A_381 : i32 to index
    %get3A_384 = tpu.vector_load %arg4[%get3A_382, %get3A_383] {strides = array<i32>} : memref<26x512xi32, #tpu.memory_space<vmem>>, vector<16xi32>,
    %add3A_385 = arith.constant 0 : i32
    %add3A_386 = vector.broadcast %add3A_385 : i32 to vector<16xi32>
    %add3A_387 = arith.addi %add3A_386, %get3A_384 : vector<16xi32>
    %add3A_388 = arith.constant 16 : i32
    %add3A_389 = vector.broadcast %add3A_388 : i32 to vector<16xi32>
    %add3A_390 = arith.addi %add3A_389, %iota3A : vector<16xi32>
    tpu.vector_store_idx %arg6[%add3A_387, %add3A_390], %broadcast_in_dim3A_1 : memref<200x128xi32, #tpu.memory_space<vmem>>[vector<16xi32>, vector<16xi32>], vector<16xi32>,
    %mul3A_391 = arith.constant 128 : i32
    %mul3A_392 = arith.muli %select_n3A_343, %mul3A_391 : i32
    %add3A_393 = arith.constant 32 : i32
    %add3A_394 = arith.addi %mul3A_392, %add3A_393 : i32
    %get3A_395 = arith.index_cast %add3A_364 : i32 to index
    %get3A_396 = arith.index_cast %add3A_394 : i32 to index
    %get3A_397 = tpu.vector_load %arg4[%get3A_395, %get3A_396] {strides = array<i32>} : memref<26x512xi32, #tpu.memory_space<vmem>>, vector<16xi32>,
    %add3A_398 = arith.constant 0 : i32
    %add3A_399 = vector.broadcast %add3A_398 : i32 to vector<16xi32>
    %add3A_400 = arith.addi %add3A_399, %get3A_397 : vector<16xi32>
    %add3A_401 = arith.constant 32 : i32
    %add3A_402 = vector.broadcast %add3A_401 : i32 to vector<16xi32>
    %add3A_403 = arith.addi %add3A_402, %iota3A : vector<16xi32>
    tpu.vector_store_idx %arg6[%add3A_400, %add3A_403], %broadcast_in_dim3A_1 : memref<200x128xi32, #tpu.memory_space<vmem>>[vector<16xi32>, vector<16xi32>], vector<16xi32>,
    %mul3A_404 = arith.constant 128 : i32
    %mul3A_405 = arith.muli %select_n3A_343, %mul3A_404 : i32
    %add3A_406 = arith.constant 48 : i32
    %add3A_407 = arith.addi %mul3A_405, %add3A_406 : i32
    %get3A_408 = arith.index_cast %add3A_364 : i32 to index
    %get3A_409 = arith.index_cast %add3A_407 : i32 to index
    %get3A_410 = tpu.vector_load %arg4[%get3A_408, %get3A_409] {strides = array<i32>} : memref<26x512xi32, #tpu.memory_space<vmem>>, vector<16xi32>,
    %add3A_411 = arith.constant 0 : i32
    %add3A_412 = vector.broadcast %add3A_411 : i32 to vector<16xi32>
    %add3A_413 = arith.addi %add3A_412, %get3A_410 : vector<16xi32>
    %add3A_414 = arith.constant 48 : i32
    %add3A_415 = vector.broadcast %add3A_414 : i32 to vector<16xi32>
    %add3A_416 = arith.addi %add3A_415, %iota3A : vector<16xi32>
    tpu.vector_store_idx %arg6[%add3A_413, %add3A_416], %broadcast_in_dim3A_1 : memref<200x128xi32, #tpu.memory_space<vmem>>[vector<16xi32>, vector<16xi32>], vector<16xi32>,
    %mul3A_417 = arith.constant 128 : i32
    %mul3A_418 = arith.muli %select_n3A_343, %mul3A_417 : i32
    %add3A_419 = arith.constant 64 : i32
    %add3A_420 = arith.addi %mul3A_418, %add3A_419 : i32
    %get3A_421 = arith.index_cast %add3A_364 : i32 to index
    %get3A_422 = arith.index_cast %add3A_420 : i32 to index
    %get3A_423 = tpu.vector_load %arg4[%get3A_421, %get3A_422] {strides = array<i32>} : memref<26x512xi32, #tpu.memory_space<vmem>>, vector<16xi32>,
    %add3A_424 = arith.constant 0 : i32
    %add3A_425 = vector.broadcast %add3A_424 : i32 to vector<16xi32>
    %add3A_426 = arith.addi %add3A_425, %get3A_423 : vector<16xi32>
    %add3A_427 = arith.constant 64 : i32
    %add3A_428 = vector.broadcast %add3A_427 : i32 to vector<16xi32>
    %add3A_429 = arith.addi %add3A_428, %iota3A : vector<16xi32>
    tpu.vector_store_idx %arg6[%add3A_426, %add3A_429], %broadcast_in_dim3A_1 : memref<200x128xi32, #tpu.memory_space<vmem>>[vector<16xi32>, vector<16xi32>], vector<16xi32>,
    %mul3A_430 = arith.constant 128 : i32
    %mul3A_431 = arith.muli %select_n3A_343, %mul3A_430 : i32
    %add3A_432 = arith.constant 80 : i32
    %add3A_433 = arith.addi %mul3A_431, %add3A_432 : i32
    %get3A_434 = arith.index_cast %add3A_364 : i32 to index
    %get3A_435 = arith.index_cast %add3A_433 : i32 to index
    %get3A_436 = tpu.vector_load %arg4[%get3A_434, %get3A_435] {strides = array<i32>} : memref<26x512xi32, #tpu.memory_space<vmem>>, vector<16xi32>,
    %add3A_437 = arith.constant 0 : i32
    %add3A_438 = vector.broadcast %add3A_437 : i32 to vector<16xi32>
    %add3A_439 = arith.addi %add3A_438, %get3A_436 : vector<16xi32>
    %add3A_440 = arith.constant 80 : i32
    %add3A_441 = vector.broadcast %add3A_440 : i32 to vector<16xi32>
    %add3A_442 = arith.addi %add3A_441, %iota3A : vector<16xi32>
    tpu.vector_store_idx %arg6[%add3A_439, %add3A_442], %broadcast_in_dim3A_1 : memref<200x128xi32, #tpu.memory_space<vmem>>[vector<16xi32>, vector<16xi32>], vector<16xi32>,
    %mul3A_443 = arith.constant 128 : i32
    %mul3A_444 = arith.muli %select_n3A_343, %mul3A_443 : i32
    %add3A_445 = arith.constant 96 : i32
    %add3A_446 = arith.addi %mul3A_444, %add3A_445 : i32
    %get3A_447 = arith.index_cast %add3A_364 : i32 to index
    %get3A_448 = arith.index_cast %add3A_446 : i32 to index
    %get3A_449 = tpu.vector_load %arg4[%get3A_447, %get3A_448] {strides = array<i32>} : memref<26x512xi32, #tpu.memory_space<vmem>>, vector<16xi32>,
    %add3A_450 = arith.constant 0 : i32
    %add3A_451 = vector.broadcast %add3A_450 : i32 to vector<16xi32>
    %add3A_452 = arith.addi %add3A_451, %get3A_449 : vector<16xi32>
    %add3A_453 = arith.constant 96 : i32
    %add3A_454 = vector.broadcast %add3A_453 : i32 to vector<16xi32>
    %add3A_455 = arith.addi %add3A_454, %iota3A : vector<16xi32>
    tpu.vector_store_idx %arg6[%add3A_452, %add3A_455], %broadcast_in_dim3A_1 : memref<200x128xi32, #tpu.memory_space<vmem>>[vector<16xi32>, vector<16xi32>], vector<16xi32>,
    %mul3A_456 = arith.constant 128 : i32
    %mul3A_457 = arith.muli %select_n3A_343, %mul3A_456 : i32
    %add3A_458 = arith.constant 112 : i32
    %add3A_459 = arith.addi %mul3A_457, %add3A_458 : i32
    %get3A_460 = arith.index_cast %add3A_364 : i32 to index
    %get3A_461 = arith.index_cast %add3A_459 : i32 to index
    %get3A_462 = tpu.vector_load %arg4[%get3A_460, %get3A_461] {strides = array<i32>} : memref<26x512xi32, #tpu.memory_space<vmem>>, vector<16xi32>,
    %add3A_463 = arith.constant 0 : i32
    %add3A_464 = vector.broadcast %add3A_463 : i32 to vector<16xi32>
    %add3A_465 = arith.addi %add3A_464, %get3A_462 : vector<16xi32>
    %add3A_466 = arith.constant 112 : i32
    %add3A_467 = vector.broadcast %add3A_466 : i32 to vector<16xi32>
    %add3A_468 = arith.addi %add3A_467, %iota3A : vector<16xi32>
    tpu.vector_store_idx %arg6[%add3A_465, %add3A_468], %broadcast_in_dim3A_1 : memref<200x128xi32, #tpu.memory_space<vmem>>[vector<16xi32>, vector<16xi32>], vector<16xi32>,
    %mul3A_469 = arith.constant 2 : i32
    %mul3A_470 = arith.muli %mul3A_469, %select_n3A_360 : i32
    %add3A_471 = arith.constant 1 : i32
    %add3A_472 = arith.addi %mul3A_470, %add3A_471 : i32
    %mul3A_473 = arith.constant 128 : i32
    %mul3A_474 = arith.muli %select_n3A_343, %mul3A_473 : i32
    %add3A_475 = arith.constant 0 : i32
    %add3A_476 = arith.addi %mul3A_474, %add3A_475 : i32
    %get3A_477 = arith.index_cast %add3A_472 : i32 to index
    %get3A_478 = arith.index_cast %add3A_476 : i32 to index
    %get3A_479 = tpu.vector_load %arg4[%get3A_477, %get3A_478] {strides = array<i32>} : memref<26x512xi32, #tpu.memory_space<vmem>>, vector<16xi32>,
    %add3A_480 = arith.constant 100 : i32
    %add3A_481 = vector.broadcast %add3A_480 : i32 to vector<16xi32>
    %add3A_482 = arith.addi %add3A_481, %get3A_479 : vector<16xi32>
    %add3A_483 = arith.constant 0 : i32
    %add3A_484 = vector.broadcast %add3A_483 : i32 to vector<16xi32>
    %add3A_485 = arith.addi %add3A_484, %iota3A : vector<16xi32>
    tpu.vector_store_idx %arg6[%add3A_482, %add3A_485], %broadcast_in_dim3A_1 : memref<200x128xi32, #tpu.memory_space<vmem>>[vector<16xi32>, vector<16xi32>], vector<16xi32>,
    %mul3A_486 = arith.constant 128 : i32
    %mul3A_487 = arith.muli %select_n3A_343, %mul3A_486 : i32
    %add3A_488 = arith.constant 16 : i32
    %add3A_489 = arith.addi %mul3A_487, %add3A_488 : i32
    %get3A_490 = arith.index_cast %add3A_472 : i32 to index
    %get3A_491 = arith.index_cast %add3A_489 : i32 to index
    %get3A_492 = tpu.vector_load %arg4[%get3A_490, %get3A_491] {strides = array<i32>} : memref<26x512xi32, #tpu.memory_space<vmem>>, vector<16xi32>,
    %add3A_493 = arith.constant 100 : i32
    %add3A_494 = vector.broadcast %add3A_493 : i32 to vector<16xi32>
    %add3A_495 = arith.addi %add3A_494, %get3A_492 : vector<16xi32>
    %add3A_496 = arith.constant 16 : i32
    %add3A_497 = vector.broadcast %add3A_496 : i32 to vector<16xi32>
    %add3A_498 = arith.addi %add3A_497, %iota3A : vector<16xi32>
    tpu.vector_store_idx %arg6[%add3A_495, %add3A_498], %broadcast_in_dim3A_1 : memref<200x128xi32, #tpu.memory_space<vmem>>[vector<16xi32>, vector<16xi32>], vector<16xi32>,
    %mul3A_499 = arith.constant 128 : i32
    %mul3A_500 = arith.muli %select_n3A_343, %mul3A_499 : i32
    %add3A_501 = arith.constant 32 : i32
    %add3A_502 = arith.addi %mul3A_500, %add3A_501 : i32
    %get3A_503 = arith.index_cast %add3A_472 : i32 to index
    %get3A_504 = arith.index_cast %add3A_502 : i32 to index
    %get3A_505 = tpu.vector_load %arg4[%get3A_503, %get3A_504] {strides = array<i32>} : memref<26x512xi32, #tpu.memory_space<vmem>>, vector<16xi32>,
    %add3A_506 = arith.constant 100 : i32
    %add3A_507 = vector.broadcast %add3A_506 : i32 to vector<16xi32>
    %add3A_508 = arith.addi %add3A_507, %get3A_505 : vector<16xi32>
    %add3A_509 = arith.constant 32 : i32
    %add3A_510 = vector.broadcast %add3A_509 : i32 to vector<16xi32>
    %add3A_511 = arith.addi %add3A_510, %iota3A : vector<16xi32>
    tpu.vector_store_idx %arg6[%add3A_508, %add3A_511], %broadcast_in_dim3A_1 : memref<200x128xi32, #tpu.memory_space<vmem>>[vector<16xi32>, vector<16xi32>], vector<16xi32>,
    %mul3A_512 = arith.constant 128 : i32
    %mul3A_513 = arith.muli %select_n3A_343, %mul3A_512 : i32
    %add3A_514 = arith.constant 48 : i32
    %add3A_515 = arith.addi %mul3A_513, %add3A_514 : i32
    %get3A_516 = arith.index_cast %add3A_472 : i32 to index
    %get3A_517 = arith.index_cast %add3A_515 : i32 to index
    %get3A_518 = tpu.vector_load %arg4[%get3A_516, %get3A_517] {strides = array<i32>} : memref<26x512xi32, #tpu.memory_space<vmem>>, vector<16xi32>,
    %add3A_519 = arith.constant 100 : i32
    %add3A_520 = vector.broadcast %add3A_519 : i32 to vector<16xi32>
    %add3A_521 = arith.addi %add3A_520, %get3A_518 : vector<16xi32>
    %add3A_522 = arith.constant 48 : i32
    %add3A_523 = vector.broadcast %add3A_522 : i32 to vector<16xi32>
    %add3A_524 = arith.addi %add3A_523, %iota3A : vector<16xi32>
    tpu.vector_store_idx %arg6[%add3A_521, %add3A_524], %broadcast_in_dim3A_1 : memref<200x128xi32, #tpu.memory_space<vmem>>[vector<16xi32>, vector<16xi32>], vector<16xi32>,
    %mul3A_525 = arith.constant 128 : i32
    %mul3A_526 = arith.muli %select_n3A_343, %mul3A_525 : i32
    %add3A_527 = arith.constant 64 : i32
    %add3A_528 = arith.addi %mul3A_526, %add3A_527 : i32
    %get3A_529 = arith.index_cast %add3A_472 : i32 to index
    %get3A_530 = arith.index_cast %add3A_528 : i32 to index
    %get3A_531 = tpu.vector_load %arg4[%get3A_529, %get3A_530] {strides = array<i32>} : memref<26x512xi32, #tpu.memory_space<vmem>>, vector<16xi32>,
    %add3A_532 = arith.constant 100 : i32
    %add3A_533 = vector.broadcast %add3A_532 : i32 to vector<16xi32>
    %add3A_534 = arith.addi %add3A_533, %get3A_531 : vector<16xi32>
    %add3A_535 = arith.constant 64 : i32
    %add3A_536 = vector.broadcast %add3A_535 : i32 to vector<16xi32>
    %add3A_537 = arith.addi %add3A_536, %iota3A : vector<16xi32>
    tpu.vector_store_idx %arg6[%add3A_534, %add3A_537], %broadcast_in_dim3A_1 : memref<200x128xi32, #tpu.memory_space<vmem>>[vector<16xi32>, vector<16xi32>], vector<16xi32>,
    %mul3A_538 = arith.constant 128 : i32
    %mul3A_539 = arith.muli %select_n3A_343, %mul3A_538 : i32
    %add3A_540 = arith.constant 80 : i32
    %add3A_541 = arith.addi %mul3A_539, %add3A_540 : i32
    %get3A_542 = arith.index_cast %add3A_472 : i32 to index
    %get3A_543 = arith.index_cast %add3A_541 : i32 to index
    %get3A_544 = tpu.vector_load %arg4[%get3A_542, %get3A_543] {strides = array<i32>} : memref<26x512xi32, #tpu.memory_space<vmem>>, vector<16xi32>,
    %add3A_545 = arith.constant 100 : i32
    %add3A_546 = vector.broadcast %add3A_545 : i32 to vector<16xi32>
    %add3A_547 = arith.addi %add3A_546, %get3A_544 : vector<16xi32>
    %add3A_548 = arith.constant 80 : i32
    %add3A_549 = vector.broadcast %add3A_548 : i32 to vector<16xi32>
    %add3A_550 = arith.addi %add3A_549, %iota3A : vector<16xi32>
    tpu.vector_store_idx %arg6[%add3A_547, %add3A_550], %broadcast_in_dim3A_1 : memref<200x128xi32, #tpu.memory_space<vmem>>[vector<16xi32>, vector<16xi32>], vector<16xi32>,
    %mul3A_551 = arith.constant 128 : i32
    %mul3A_552 = arith.muli %select_n3A_343, %mul3A_551 : i32
    %add3A_553 = arith.constant 96 : i32
    %add3A_554 = arith.addi %mul3A_552, %add3A_553 : i32
    %get3A_555 = arith.index_cast %add3A_472 : i32 to index
    %get3A_556 = arith.index_cast %add3A_554 : i32 to index
    %get3A_557 = tpu.vector_load %arg4[%get3A_555, %get3A_556] {strides = array<i32>} : memref<26x512xi32, #tpu.memory_space<vmem>>, vector<16xi32>,
    %add3A_558 = arith.constant 100 : i32
    %add3A_559 = vector.broadcast %add3A_558 : i32 to vector<16xi32>
    %add3A_560 = arith.addi %add3A_559, %get3A_557 : vector<16xi32>
    %add3A_561 = arith.constant 96 : i32
    %add3A_562 = vector.broadcast %add3A_561 : i32 to vector<16xi32>
    %add3A_563 = arith.addi %add3A_562, %iota3A : vector<16xi32>
    tpu.vector_store_idx %arg6[%add3A_560, %add3A_563], %broadcast_in_dim3A_1 : memref<200x128xi32, #tpu.memory_space<vmem>>[vector<16xi32>, vector<16xi32>], vector<16xi32>,
    %mul3A_564 = arith.constant 128 : i32
    %mul3A_565 = arith.muli %select_n3A_343, %mul3A_564 : i32
    %add3A_566 = arith.constant 112 : i32
    %add3A_567 = arith.addi %mul3A_565, %add3A_566 : i32
    %get3A_568 = arith.index_cast %add3A_472 : i32 to index
    %get3A_569 = arith.index_cast %add3A_567 : i32 to index
    %get3A_570 = tpu.vector_load %arg4[%get3A_568, %get3A_569] {strides = array<i32>} : memref<26x512xi32, #tpu.memory_space<vmem>>, vector<16xi32>,
    %add3A_571 = arith.constant 100 : i32
    %add3A_572 = vector.broadcast %add3A_571 : i32 to vector<16xi32>
    %add3A_573 = arith.addi %add3A_572, %get3A_570 : vector<16xi32>
    %add3A_574 = arith.constant 112 : i32
    %add3A_575 = vector.broadcast %add3A_574 : i32 to vector<16xi32>
    %add3A_576 = arith.addi %add3A_575, %iota3A : vector<16xi32>
    tpu.vector_store_idx %arg6[%add3A_573, %add3A_576], %broadcast_in_dim3A_1 : memref<200x128xi32, #tpu.memory_space<vmem>>[vector<16xi32>, vector<16xi32>], vector<16xi32>,
    %jit3A_577 = arith.constant 1 : i32
    %jit3A_578 = arith.constant 13 : i32
    %div3A_579 = arith.divsi %jit3A_577, %jit3A_578 : i32
    %sign3A_580 = arith.constant 0 : i32
    %sign3A_581 = arith.cmpi sgt, %jit3A_577, %sign3A_580 : i32
    %sign3A_582 = arith.extui %sign3A_581 : i1 to i32
    %sign3A_583 = arith.constant 0 : i32
    %sign3A_584 = arith.cmpi slt, %jit3A_577, %sign3A_583 : i32
    %sign3A_585 = arith.extui %sign3A_584 : i1 to i32
    %sign3A_586 = arith.subi %sign3A_582, %sign3A_585 : i32
    %sign3A_587 = arith.constant 0 : i32
    %sign3A_588 = arith.cmpi sgt, %jit3A_578, %sign3A_587 : i32
    %sign3A_589 = arith.extui %sign3A_588 : i1 to i32
    %sign3A_590 = arith.constant 0 : i32
    %sign3A_591 = arith.cmpi slt, %jit3A_578, %sign3A_590 : i32
    %sign3A_592 = arith.extui %sign3A_591 : i1 to i32
    %sign3A_593 = arith.subi %sign3A_589, %sign3A_592 : i32
    %ne3A_594 = arith.cmpi ne, %sign3A_586, %sign3A_593 : i32
    %rem3A_595 = arith.remsi %jit3A_577, %jit3A_578 : i32
    %ne3A_596 = arith.constant 0 : i32
    %ne3A_597 = arith.cmpi ne, %rem3A_595, %ne3A_596 : i32
    %and3A_598 = arith.andi %ne3A_594, %ne3A_597 : i1
    %sub3A_599 = arith.constant 1 : i32
    %sub3A_600 = arith.subi %div3A_579, %sub3A_599 : i32
    %select_n3A_601 = arith.select %and3A_598, %sub3A_600, %div3A_579 : i32
    %jit3A_602 = arith.constant 1 : i32
    %jit3A_603 = arith.constant 13 : i32
    %eq3A_604 = arith.constant 0 : i32
    %eq3A_605 = arith.cmpi eq, %jit3A_603, %eq3A_604 : i32
    %jit3A_606 = arith.constant 1 : i32
    %select_n3A_607 = arith.select %eq3A_605, %jit3A_606, %jit3A_603 : i32
    %rem3A_608 = arith.remsi %jit3A_602, %select_n3A_607 : i32
    %ne3A_609 = arith.constant 0 : i32
    %ne3A_610 = arith.cmpi ne, %rem3A_608, %ne3A_609 : i32
    %lt3A_611 = arith.constant 0 : i32
    %lt3A_612 = arith.cmpi slt, %rem3A_608, %lt3A_611 : i32
    %lt3A_613 = arith.constant 0 : i32
    %lt3A_614 = arith.cmpi slt, %select_n3A_607, %lt3A_613 : i32
    %ne3A_615 = arith.xori %lt3A_612, %lt3A_614 : i1
    %and3A_616 = arith.andi %ne3A_615, %ne3A_610 : i1
    %add3A_617 = arith.addi %rem3A_608, %select_n3A_607 : i32
    %select_n3A_618 = arith.select %and3A_616, %add3A_617, %rem3A_608 : i32
    %mul3A_619 = arith.constant 200 : i32
    %mul3A_620 = arith.muli %select_n3A_618, %mul3A_619 : i32
    %mul3A_621 = arith.constant 128 : i32
    %mul3A_622 = arith.muli %select_n3A_601, %mul3A_621 : i32
    %add3A_623 = arith.addi %mul3A_5, %mul3A_622 : i32
    %dma_start3A_624 = tpu.memref_slice %arg3[%mul3A_620, %add3A_623] : memref<2600x16384xi32, #tpu.memory_space<hbm>> -> memref<200x128xi32, #tpu.memory_space<hbm>>
    %dma_start3A_625 = tpu.memref_slice %arg3[%mul3A_620, %add3A_623] : memref<2600x16384xi32, #tpu.memory_space<hbm>> -> memref<200x128xi32, #tpu.memory_space<hbm>>
    tpu.enqueue_dma source(%arg6 : memref<200x128xi32, #tpu.memory_space<vmem>>) target(%dma_start3A_625 : memref<200x128xi32, #tpu.memory_space<hbm>>) target_semaphore(%arg8 : memref<!tpu.dma_semaphore, #tpu.memory_space<semaphore_mem>>)
    %scan3A_626 = arith.constant 0 : i32
    %scan3A_627 = arith.constant 1 : i32
    %scan3A_628 = arith.constant 25 : i32
    %scan3A_629 = arith.addi %scan3A_627, %scan3A_628 : i32
    %scan3A_630 = arith.constant 1 : i32
    scf.for %scan3A_730 = %scan3A_627 to %scan3A_629 step %scan3A_630  : i32 {
      %mul3A_731 = arith.constant 2 : i32
      %mul3A_732 = arith.muli %scan3A_730, %mul3A_731 : i32
      %add3A_733 = arith.constant 0 : i32
      %add3A_734 = arith.addi %mul3A_732, %add3A_733 : i32
      %sub3A_735 = arith.constant 2 : i32
      %sub3A_736 = arith.subi %add3A_734, %sub3A_735 : i32
      %jit3A_737 = arith.constant 13 : i32
      %div3A_738 = arith.divsi %sub3A_736, %jit3A_737 : i32
      %sign3A_739 = arith.constant 0 : i32
      %sign3A_740 = arith.cmpi sgt, %sub3A_736, %sign3A_739 : i32
      %sign3A_741 = arith.extui %sign3A_740 : i1 to i32
      %sign3A_742 = arith.constant 0 : i32
      %sign3A_743 = arith.cmpi slt, %sub3A_736, %sign3A_742 : i32
      %sign3A_744 = arith.extui %sign3A_743 : i1 to i32
      %sign3A_745 = arith.subi %sign3A_741, %sign3A_744 : i32
      %sign3A_746 = arith.constant 0 : i32
      %sign3A_747 = arith.cmpi sgt, %jit3A_737, %sign3A_746 : i32
      %sign3A_748 = arith.extui %sign3A_747 : i1 to i32
      %sign3A_749 = arith.constant 0 : i32
      %sign3A_750 = arith.cmpi slt, %jit3A_737, %sign3A_749 : i32
      %sign3A_751 = arith.extui %sign3A_750 : i1 to i32
      %sign3A_752 = arith.subi %sign3A_748, %sign3A_751 : i32
      %ne3A_753 = arith.cmpi ne, %sign3A_745, %sign3A_752 : i32
      %rem3A_754 = arith.remsi %sub3A_736, %jit3A_737 : i32
      %ne3A_755 = arith.constant 0 : i32
      %ne3A_756 = arith.cmpi ne, %rem3A_754, %ne3A_755 : i32
      %and3A_757 = arith.andi %ne3A_753, %ne3A_756 : i1
      %sub3A_758 = arith.constant 1 : i32
      %sub3A_759 = arith.subi %div3A_738, %sub3A_758 : i32
      %select_n3A_760 = arith.select %and3A_757, %sub3A_759, %div3A_738 : i32
      %jit3A_761 = arith.constant 13 : i32
      %eq3A_762 = arith.constant 0 : i32
      %eq3A_763 = arith.cmpi eq, %jit3A_761, %eq3A_762 : i32
      %jit3A_764 = arith.constant 1 : i32
      %select_n3A_765 = arith.select %eq3A_763, %jit3A_764, %jit3A_761 : i32
      %rem3A_766 = arith.remsi %sub3A_736, %select_n3A_765 : i32
      %ne3A_767 = arith.constant 0 : i32
      %ne3A_768 = arith.cmpi ne, %rem3A_766, %ne3A_767 : i32
      %lt3A_769 = arith.constant 0 : i32
      %lt3A_770 = arith.cmpi slt, %rem3A_766, %lt3A_769 : i32
      %lt3A_771 = arith.constant 0 : i32
      %lt3A_772 = arith.cmpi slt, %select_n3A_765, %lt3A_771 : i32
      %ne3A_773 = arith.xori %lt3A_770, %lt3A_772 : i1
      %and3A_774 = arith.andi %ne3A_773, %ne3A_768 : i1
      %add3A_775 = arith.addi %rem3A_766, %select_n3A_765 : i32
      %select_n3A_776 = arith.select %and3A_774, %add3A_775, %rem3A_766 : i32
      %mul3A_777 = arith.constant 200 : i32
      %mul3A_778 = arith.muli %select_n3A_776, %mul3A_777 : i32
      %mul3A_779 = arith.constant 128 : i32
      %mul3A_780 = arith.muli %select_n3A_760, %mul3A_779 : i32
      %add3A_781 = arith.addi %mul3A_5, %mul3A_780 : i32
      %dma_wait3A_782 = tpu.memref_slice %arg3[%mul3A_778, %add3A_781] : memref<2600x16384xi32, #tpu.memory_space<hbm>> -> memref<200x128xi32, #tpu.memory_space<hbm>>
      %dma_wait3A_783 = tpu.memref_slice %arg3[%mul3A_778, %add3A_781] : memref<2600x16384xi32, #tpu.memory_space<hbm>> -> memref<200x128xi32, #tpu.memory_space<hbm>>
      tpu.wait_dma2 semaphore(%arg7 : memref<!tpu.dma_semaphore, #tpu.memory_space<semaphore_mem>>) src(%arg5 : memref<200x128xi32, #tpu.memory_space<vmem>>) dst(%dma_wait3A_783 : memref<200x128xi32, #tpu.memory_space<hbm>>)
      %sub3A_784 = arith.constant 2 : i32
      %sub3A_785 = arith.subi %add3A_734, %sub3A_784 : i32
      %jit3A_786 = arith.constant 13 : i32
      %div3A_787 = arith.divsi %sub3A_785, %jit3A_786 : i32
      %sign3A_788 = arith.constant 0 : i32
      %sign3A_789 = arith.cmpi sgt, %sub3A_785, %sign3A_788 : i32
      %sign3A_790 = arith.extui %sign3A_789 : i1 to i32
      %sign3A_791 = arith.constant 0 : i32
      %sign3A_792 = arith.cmpi slt, %sub3A_785, %sign3A_791 : i32
      %sign3A_793 = arith.extui %sign3A_792 : i1 to i32
      %sign3A_794 = arith.subi %sign3A_790, %sign3A_793 : i32
      %sign3A_795 = arith.constant 0 : i32
      %sign3A_796 = arith.cmpi sgt, %jit3A_786, %sign3A_795 : i32
      %sign3A_797 = arith.extui %sign3A_796 : i1 to i32
      %sign3A_798 = arith.constant 0 : i32
      %sign3A_799 = arith.cmpi slt, %jit3A_786, %sign3A_798 : i32
      %sign3A_800 = arith.extui %sign3A_799 : i1 to i32
      %sign3A_801 = arith.subi %sign3A_797, %sign3A_800 : i32
      %ne3A_802 = arith.cmpi ne, %sign3A_794, %sign3A_801 : i32
      %rem3A_803 = arith.remsi %sub3A_785, %jit3A_786 : i32
      %ne3A_804 = arith.constant 0 : i32
      %ne3A_805 = arith.cmpi ne, %rem3A_803, %ne3A_804 : i32
      %and3A_806 = arith.andi %ne3A_802, %ne3A_805 : i1
      %sub3A_807 = arith.constant 1 : i32
      %sub3A_808 = arith.subi %div3A_787, %sub3A_807 : i32
      %select_n3A_809 = arith.select %and3A_806, %sub3A_808, %div3A_787 : i32
      %jit3A_810 = arith.constant 13 : i32
      %eq3A_811 = arith.constant 0 : i32
      %eq3A_812 = arith.cmpi eq, %jit3A_810, %eq3A_811 : i32
      %jit3A_813 = arith.constant 1 : i32
      %select_n3A_814 = arith.select %eq3A_812, %jit3A_813, %jit3A_810 : i32
      %rem3A_815 = arith.remsi %sub3A_785, %select_n3A_814 : i32
      %ne3A_816 = arith.constant 0 : i32
      %ne3A_817 = arith.cmpi ne, %rem3A_815, %ne3A_816 : i32
      %lt3A_818 = arith.constant 0 : i32
      %lt3A_819 = arith.cmpi slt, %rem3A_815, %lt3A_818 : i32
      %lt3A_820 = arith.constant 0 : i32
      %lt3A_821 = arith.cmpi slt, %select_n3A_814, %lt3A_820 : i32
      %ne3A_822 = arith.xori %lt3A_819, %lt3A_821 : i1
      %and3A_823 = arith.andi %ne3A_822, %ne3A_817 : i1
      %add3A_824 = arith.addi %rem3A_815, %select_n3A_814 : i32
      %select_n3A_825 = arith.select %and3A_823, %add3A_824, %rem3A_815 : i32
      %mul3A_826 = arith.constant 2 : i32
      %mul3A_827 = arith.muli %mul3A_826, %select_n3A_825 : i32
      %add3A_828 = arith.constant 0 : i32
      %add3A_829 = arith.addi %mul3A_827, %add3A_828 : i32
      %mul3A_830 = arith.constant 128 : i32
      %mul3A_831 = arith.muli %select_n3A_809, %mul3A_830 : i32
      %add3A_832 = arith.constant 0 : i32
      %add3A_833 = arith.addi %mul3A_831, %add3A_832 : i32
      %get3A_834 = arith.index_cast %add3A_829 : i32 to index
      %get3A_835 = arith.index_cast %add3A_833 : i32 to index
      %get3A_836 = tpu.vector_load %arg4[%get3A_834, %get3A_835] {strides = array<i32>} : memref<26x512xi32, #tpu.memory_space<vmem>>, vector<16xi32>,
      %add3A_837 = arith.constant 0 : i32
      %add3A_838 = vector.broadcast %add3A_837 : i32 to vector<16xi32>
      %add3A_839 = arith.addi %add3A_838, %get3A_836 : vector<16xi32>
      %add3A_840 = arith.constant 0 : i32
      %add3A_841 = vector.broadcast %add3A_840 : i32 to vector<16xi32>
      %add3A_842 = arith.addi %add3A_841, %iota3A : vector<16xi32>
      tpu.vector_store_idx %arg5[%add3A_839, %add3A_842], %broadcast_in_dim3A_3 : memref<200x128xi32, #tpu.memory_space<vmem>>[vector<16xi32>, vector<16xi32>], vector<16xi32>,
      %mul3A_843 = arith.constant 128 : i32
      %mul3A_844 = arith.muli %select_n3A_809, %mul3A_843 : i32
      %add3A_845 = arith.constant 16 : i32
      %add3A_846 = arith.addi %mul3A_844, %add3A_845 : i32
      %get3A_847 = arith.index_cast %add3A_829 : i32 to index
      %get3A_848 = arith.index_cast %add3A_846 : i32 to index
      %get3A_849 = tpu.vector_load %arg4[%get3A_847, %get3A_848] {strides = array<i32>} : memref<26x512xi32, #tpu.memory_space<vmem>>, vector<16xi32>,
      %add3A_850 = arith.constant 0 : i32
      %add3A_851 = vector.broadcast %add3A_850 : i32 to vector<16xi32>
      %add3A_852 = arith.addi %add3A_851, %get3A_849 : vector<16xi32>
      %add3A_853 = arith.constant 16 : i32
      %add3A_854 = vector.broadcast %add3A_853 : i32 to vector<16xi32>
      %add3A_855 = arith.addi %add3A_854, %iota3A : vector<16xi32>
      tpu.vector_store_idx %arg5[%add3A_852, %add3A_855], %broadcast_in_dim3A_3 : memref<200x128xi32, #tpu.memory_space<vmem>>[vector<16xi32>, vector<16xi32>], vector<16xi32>,
      %mul3A_856 = arith.constant 128 : i32
      %mul3A_857 = arith.muli %select_n3A_809, %mul3A_856 : i32
      %add3A_858 = arith.constant 32 : i32
      %add3A_859 = arith.addi %mul3A_857, %add3A_858 : i32
      %get3A_860 = arith.index_cast %add3A_829 : i32 to index
      %get3A_861 = arith.index_cast %add3A_859 : i32 to index
      %get3A_862 = tpu.vector_load %arg4[%get3A_860, %get3A_861] {strides = array<i32>} : memref<26x512xi32, #tpu.memory_space<vmem>>, vector<16xi32>,
      %add3A_863 = arith.constant 0 : i32
      %add3A_864 = vector.broadcast %add3A_863 : i32 to vector<16xi32>
      %add3A_865 = arith.addi %add3A_864, %get3A_862 : vector<16xi32>
      %add3A_866 = arith.constant 32 : i32
      %add3A_867 = vector.broadcast %add3A_866 : i32 to vector<16xi32>
      %add3A_868 = arith.addi %add3A_867, %iota3A : vector<16xi32>
      tpu.vector_store_idx %arg5[%add3A_865, %add3A_868], %broadcast_in_dim3A_3 : memref<200x128xi32, #tpu.memory_space<vmem>>[vector<16xi32>, vector<16xi32>], vector<16xi32>,
      %mul3A_869 = arith.constant 128 : i32
      %mul3A_870 = arith.muli %select_n3A_809, %mul3A_869 : i32
      %add3A_871 = arith.constant 48 : i32
      %add3A_872 = arith.addi %mul3A_870, %add3A_871 : i32
      %get3A_873 = arith.index_cast %add3A_829 : i32 to index
      %get3A_874 = arith.index_cast %add3A_872 : i32 to index
      %get3A_875 = tpu.vector_load %arg4[%get3A_873, %get3A_874] {strides = array<i32>} : memref<26x512xi32, #tpu.memory_space<vmem>>, vector<16xi32>,
      %add3A_876 = arith.constant 0 : i32
      %add3A_877 = vector.broadcast %add3A_876 : i32 to vector<16xi32>
      %add3A_878 = arith.addi %add3A_877, %get3A_875 : vector<16xi32>
      %add3A_879 = arith.constant 48 : i32
      %add3A_880 = vector.broadcast %add3A_879 : i32 to vector<16xi32>
      %add3A_881 = arith.addi %add3A_880, %iota3A : vector<16xi32>
      tpu.vector_store_idx %arg5[%add3A_878, %add3A_881], %broadcast_in_dim3A_3 : memref<200x128xi32, #tpu.memory_space<vmem>>[vector<16xi32>, vector<16xi32>], vector<16xi32>,
      %mul3A_882 = arith.constant 128 : i32
      %mul3A_883 = arith.muli %select_n3A_809, %mul3A_882 : i32
      %add3A_884 = arith.constant 64 : i32
      %add3A_885 = arith.addi %mul3A_883, %add3A_884 : i32
      %get3A_886 = arith.index_cast %add3A_829 : i32 to index
      %get3A_887 = arith.index_cast %add3A_885 : i32 to index
      %get3A_888 = tpu.vector_load %arg4[%get3A_886, %get3A_887] {strides = array<i32>} : memref<26x512xi32, #tpu.memory_space<vmem>>, vector<16xi32>,
      %add3A_889 = arith.constant 0 : i32
      %add3A_890 = vector.broadcast %add3A_889 : i32 to vector<16xi32>
      %add3A_891 = arith.addi %add3A_890, %get3A_888 : vector<16xi32>
      %add3A_892 = arith.constant 64 : i32
      %add3A_893 = vector.broadcast %add3A_892 : i32 to vector<16xi32>
      %add3A_894 = arith.addi %add3A_893, %iota3A : vector<16xi32>
      tpu.vector_store_idx %arg5[%add3A_891, %add3A_894], %broadcast_in_dim3A_3 : memref<200x128xi32, #tpu.memory_space<vmem>>[vector<16xi32>, vector<16xi32>], vector<16xi32>,
      %mul3A_895 = arith.constant 128 : i32
      %mul3A_896 = arith.muli %select_n3A_809, %mul3A_895 : i32
      %add3A_897 = arith.constant 80 : i32
      %add3A_898 = arith.addi %mul3A_896, %add3A_897 : i32
      %get3A_899 = arith.index_cast %add3A_829 : i32 to index
      %get3A_900 = arith.index_cast %add3A_898 : i32 to index
      %get3A_901 = tpu.vector_load %arg4[%get3A_899, %get3A_900] {strides = array<i32>} : memref<26x512xi32, #tpu.memory_space<vmem>>, vector<16xi32>,
      %add3A_902 = arith.constant 0 : i32
      %add3A_903 = vector.broadcast %add3A_902 : i32 to vector<16xi32>
      %add3A_904 = arith.addi %add3A_903, %get3A_901 : vector<16xi32>
      %add3A_905 = arith.constant 80 : i32
      %add3A_906 = vector.broadcast %add3A_905 : i32 to vector<16xi32>
      %add3A_907 = arith.addi %add3A_906, %iota3A : vector<16xi32>
      tpu.vector_store_idx %arg5[%add3A_904, %add3A_907], %broadcast_in_dim3A_3 : memref<200x128xi32, #tpu.memory_space<vmem>>[vector<16xi32>, vector<16xi32>], vector<16xi32>,
      %mul3A_908 = arith.constant 128 : i32
      %mul3A_909 = arith.muli %select_n3A_809, %mul3A_908 : i32
      %add3A_910 = arith.constant 96 : i32
      %add3A_911 = arith.addi %mul3A_909, %add3A_910 : i32
      %get3A_912 = arith.index_cast %add3A_829 : i32 to index
      %get3A_913 = arith.index_cast %add3A_911 : i32 to index
      %get3A_914 = tpu.vector_load %arg4[%get3A_912, %get3A_913] {strides = array<i32>} : memref<26x512xi32, #tpu.memory_space<vmem>>, vector<16xi32>,
      %add3A_915 = arith.constant 0 : i32
      %add3A_916 = vector.broadcast %add3A_915 : i32 to vector<16xi32>
      %add3A_917 = arith.addi %add3A_916, %get3A_914 : vector<16xi32>
      %add3A_918 = arith.constant 96 : i32
      %add3A_919 = vector.broadcast %add3A_918 : i32 to vector<16xi32>
      %add3A_920 = arith.addi %add3A_919, %iota3A : vector<16xi32>
      tpu.vector_store_idx %arg5[%add3A_917, %add3A_920], %broadcast_in_dim3A_3 : memref<200x128xi32, #tpu.memory_space<vmem>>[vector<16xi32>, vector<16xi32>], vector<16xi32>,
      %mul3A_921 = arith.constant 128 : i32
      %mul3A_922 = arith.muli %select_n3A_809, %mul3A_921 : i32
      %add3A_923 = arith.constant 112 : i32
      %add3A_924 = arith.addi %mul3A_922, %add3A_923 : i32
      %get3A_925 = arith.index_cast %add3A_829 : i32 to index
      %get3A_926 = arith.index_cast %add3A_924 : i32 to index
      %get3A_927 = tpu.vector_load %arg4[%get3A_925, %get3A_926] {strides = array<i32>} : memref<26x512xi32, #tpu.memory_space<vmem>>, vector<16xi32>,
      %add3A_928 = arith.constant 0 : i32
      %add3A_929 = vector.broadcast %add3A_928 : i32 to vector<16xi32>
      %add3A_930 = arith.addi %add3A_929, %get3A_927 : vector<16xi32>
      %add3A_931 = arith.constant 112 : i32
      %add3A_932 = vector.broadcast %add3A_931 : i32 to vector<16xi32>
      %add3A_933 = arith.addi %add3A_932, %iota3A : vector<16xi32>
      tpu.vector_store_idx %arg5[%add3A_930, %add3A_933], %broadcast_in_dim3A_3 : memref<200x128xi32, #tpu.memory_space<vmem>>[vector<16xi32>, vector<16xi32>], vector<16xi32>,
      %mul3A_934 = arith.constant 2 : i32
      %mul3A_935 = arith.muli %mul3A_934, %select_n3A_825 : i32
      %add3A_936 = arith.constant 1 : i32
      %add3A_937 = arith.addi %mul3A_935, %add3A_936 : i32
      %mul3A_938 = arith.constant 128 : i32
      %mul3A_939 = arith.muli %select_n3A_809, %mul3A_938 : i32
      %add3A_940 = arith.constant 0 : i32
      %add3A_941 = arith.addi %mul3A_939, %add3A_940 : i32
      %get3A_942 = arith.index_cast %add3A_937 : i32 to index
      %get3A_943 = arith.index_cast %add3A_941 : i32 to index
      %get3A_944 = tpu.vector_load %arg4[%get3A_942, %get3A_943] {strides = array<i32>} : memref<26x512xi32, #tpu.memory_space<vmem>>, vector<16xi32>,
      %add3A_945 = arith.constant 100 : i32
      %add3A_946 = vector.broadcast %add3A_945 : i32 to vector<16xi32>
      %add3A_947 = arith.addi %add3A_946, %get3A_944 : vector<16xi32>
      %add3A_948 = arith.constant 0 : i32
      %add3A_949 = vector.broadcast %add3A_948 : i32 to vector<16xi32>
      %add3A_950 = arith.addi %add3A_949, %iota3A : vector<16xi32>
      tpu.vector_store_idx %arg5[%add3A_947, %add3A_950], %broadcast_in_dim3A_3 : memref<200x128xi32, #tpu.memory_space<vmem>>[vector<16xi32>, vector<16xi32>], vector<16xi32>,
      %mul3A_951 = arith.constant 128 : i32
      %mul3A_952 = arith.muli %select_n3A_809, %mul3A_951 : i32
      %add3A_953 = arith.constant 16 : i32
      %add3A_954 = arith.addi %mul3A_952, %add3A_953 : i32
      %get3A_955 = arith.index_cast %add3A_937 : i32 to index
      %get3A_956 = arith.index_cast %add3A_954 : i32 to index
      %get3A_957 = tpu.vector_load %arg4[%get3A_955, %get3A_956] {strides = array<i32>} : memref<26x512xi32, #tpu.memory_space<vmem>>, vector<16xi32>,
      %add3A_958 = arith.constant 100 : i32
      %add3A_959 = vector.broadcast %add3A_958 : i32 to vector<16xi32>
      %add3A_960 = arith.addi %add3A_959, %get3A_957 : vector<16xi32>
      %add3A_961 = arith.constant 16 : i32
      %add3A_962 = vector.broadcast %add3A_961 : i32 to vector<16xi32>
      %add3A_963 = arith.addi %add3A_962, %iota3A : vector<16xi32>
      tpu.vector_store_idx %arg5[%add3A_960, %add3A_963], %broadcast_in_dim3A_3 : memref<200x128xi32, #tpu.memory_space<vmem>>[vector<16xi32>, vector<16xi32>], vector<16xi32>,
      %mul3A_964 = arith.constant 128 : i32
      %mul3A_965 = arith.muli %select_n3A_809, %mul3A_964 : i32
      %add3A_966 = arith.constant 32 : i32
      %add3A_967 = arith.addi %mul3A_965, %add3A_966 : i32
      %get3A_968 = arith.index_cast %add3A_937 : i32 to index
      %get3A_969 = arith.index_cast %add3A_967 : i32 to index
      %get3A_970 = tpu.vector_load %arg4[%get3A_968, %get3A_969] {strides = array<i32>} : memref<26x512xi32, #tpu.memory_space<vmem>>, vector<16xi32>,
      %add3A_971 = arith.constant 100 : i32
      %add3A_972 = vector.broadcast %add3A_971 : i32 to vector<16xi32>
      %add3A_973 = arith.addi %add3A_972, %get3A_970 : vector<16xi32>
      %add3A_974 = arith.constant 32 : i32
      %add3A_975 = vector.broadcast %add3A_974 : i32 to vector<16xi32>
      %add3A_976 = arith.addi %add3A_975, %iota3A : vector<16xi32>
      tpu.vector_store_idx %arg5[%add3A_973, %add3A_976], %broadcast_in_dim3A_3 : memref<200x128xi32, #tpu.memory_space<vmem>>[vector<16xi32>, vector<16xi32>], vector<16xi32>,
      %mul3A_977 = arith.constant 128 : i32
      %mul3A_978 = arith.muli %select_n3A_809, %mul3A_977 : i32
      %add3A_979 = arith.constant 48 : i32
      %add3A_980 = arith.addi %mul3A_978, %add3A_979 : i32
      %get3A_981 = arith.index_cast %add3A_937 : i32 to index
      %get3A_982 = arith.index_cast %add3A_980 : i32 to index
      %get3A_983 = tpu.vector_load %arg4[%get3A_981, %get3A_982] {strides = array<i32>} : memref<26x512xi32, #tpu.memory_space<vmem>>, vector<16xi32>,
      %add3A_984 = arith.constant 100 : i32
      %add3A_985 = vector.broadcast %add3A_984 : i32 to vector<16xi32>
      %add3A_986 = arith.addi %add3A_985, %get3A_983 : vector<16xi32>
      %add3A_987 = arith.constant 48 : i32
      %add3A_988 = vector.broadcast %add3A_987 : i32 to vector<16xi32>
      %add3A_989 = arith.addi %add3A_988, %iota3A : vector<16xi32>
      tpu.vector_store_idx %arg5[%add3A_986, %add3A_989], %broadcast_in_dim3A_3 : memref<200x128xi32, #tpu.memory_space<vmem>>[vector<16xi32>, vector<16xi32>], vector<16xi32>,
      %mul3A_990 = arith.constant 128 : i32
      %mul3A_991 = arith.muli %select_n3A_809, %mul3A_990 : i32
      %add3A_992 = arith.constant 64 : i32
      %add3A_993 = arith.addi %mul3A_991, %add3A_992 : i32
      %get3A_994 = arith.index_cast %add3A_937 : i32 to index
      %get3A_995 = arith.index_cast %add3A_993 : i32 to index
      %get3A_996 = tpu.vector_load %arg4[%get3A_994, %get3A_995] {strides = array<i32>} : memref<26x512xi32, #tpu.memory_space<vmem>>, vector<16xi32>,
      %add3A_997 = arith.constant 100 : i32
      %add3A_998 = vector.broadcast %add3A_997 : i32 to vector<16xi32>
      %add3A_999 = arith.addi %add3A_998, %get3A_996 : vector<16xi32>
      %add3A_1000 = arith.constant 64 : i32
      %add3A_1001 = vector.broadcast %add3A_1000 : i32 to vector<16xi32>
      %add3A_1002 = arith.addi %add3A_1001, %iota3A : vector<16xi32>
      tpu.vector_store_idx %arg5[%add3A_999, %add3A_1002], %broadcast_in_dim3A_3 : memref<200x128xi32, #tpu.memory_space<vmem>>[vector<16xi32>, vector<16xi32>], vector<16xi32>,
      %mul3A_1003 = arith.constant 128 : i32
      %mul3A_1004 = arith.muli %select_n3A_809, %mul3A_1003 : i32
      %add3A_1005 = arith.constant 80 : i32
      %add3A_1006 = arith.addi %mul3A_1004, %add3A_1005 : i32
      %get3A_1007 = arith.index_cast %add3A_937 : i32 to index
      %get3A_1008 = arith.index_cast %add3A_1006 : i32 to index
      %get3A_1009 = tpu.vector_load %arg4[%get3A_1007, %get3A_1008] {strides = array<i32>} : memref<26x512xi32, #tpu.memory_space<vmem>>, vector<16xi32>,
      %add3A_1010 = arith.constant 100 : i32
      %add3A_1011 = vector.broadcast %add3A_1010 : i32 to vector<16xi32>
      %add3A_1012 = arith.addi %add3A_1011, %get3A_1009 : vector<16xi32>
      %add3A_1013 = arith.constant 80 : i32
      %add3A_1014 = vector.broadcast %add3A_1013 : i32 to vector<16xi32>
      %add3A_1015 = arith.addi %add3A_1014, %iota3A : vector<16xi32>
      tpu.vector_store_idx %arg5[%add3A_1012, %add3A_1015], %broadcast_in_dim3A_3 : memref<200x128xi32, #tpu.memory_space<vmem>>[vector<16xi32>, vector<16xi32>], vector<16xi32>,
      %mul3A_1016 = arith.constant 128 : i32
      %mul3A_1017 = arith.muli %select_n3A_809, %mul3A_1016 : i32
      %add3A_1018 = arith.constant 96 : i32
      %add3A_1019 = arith.addi %mul3A_1017, %add3A_1018 : i32
      %get3A_1020 = arith.index_cast %add3A_937 : i32 to index
      %get3A_1021 = arith.index_cast %add3A_1019 : i32 to index
      %get3A_1022 = tpu.vector_load %arg4[%get3A_1020, %get3A_1021] {strides = array<i32>} : memref<26x512xi32, #tpu.memory_space<vmem>>, vector<16xi32>,
      %add3A_1023 = arith.constant 100 : i32
      %add3A_1024 = vector.broadcast %add3A_1023 : i32 to vector<16xi32>
      %add3A_1025 = arith.addi %add3A_1024, %get3A_1022 : vector<16xi32>
      %add3A_1026 = arith.constant 96 : i32
      %add3A_1027 = vector.broadcast %add3A_1026 : i32 to vector<16xi32>
      %add3A_1028 = arith.addi %add3A_1027, %iota3A : vector<16xi32>
      tpu.vector_store_idx %arg5[%add3A_1025, %add3A_1028], %broadcast_in_dim3A_3 : memref<200x128xi32, #tpu.memory_space<vmem>>[vector<16xi32>, vector<16xi32>], vector<16xi32>,
      %mul3A_1029 = arith.constant 128 : i32
      %mul3A_1030 = arith.muli %select_n3A_809, %mul3A_1029 : i32
      %add3A_1031 = arith.constant 112 : i32
      %add3A_1032 = arith.addi %mul3A_1030, %add3A_1031 : i32
      %get3A_1033 = arith.index_cast %add3A_937 : i32 to index
      %get3A_1034 = arith.index_cast %add3A_1032 : i32 to index
      %get3A_1035 = tpu.vector_load %arg4[%get3A_1033, %get3A_1034] {strides = array<i32>} : memref<26x512xi32, #tpu.memory_space<vmem>>, vector<16xi32>,
      %add3A_1036 = arith.constant 100 : i32
      %add3A_1037 = vector.broadcast %add3A_1036 : i32 to vector<16xi32>
      %add3A_1038 = arith.addi %add3A_1037, %get3A_1035 : vector<16xi32>
      %add3A_1039 = arith.constant 112 : i32
      %add3A_1040 = vector.broadcast %add3A_1039 : i32 to vector<16xi32>
      %add3A_1041 = arith.addi %add3A_1040, %iota3A : vector<16xi32>
      tpu.vector_store_idx %arg5[%add3A_1038, %add3A_1041], %broadcast_in_dim3A_3 : memref<200x128xi32, #tpu.memory_space<vmem>>[vector<16xi32>, vector<16xi32>], vector<16xi32>,
      %jit3A_1042 = arith.constant 13 : i32
      %div3A_1043 = arith.divsi %add3A_734, %jit3A_1042 : i32
      %sign3A_1044 = arith.constant 0 : i32
      %sign3A_1045 = arith.cmpi sgt, %add3A_734, %sign3A_1044 : i32
      %sign3A_1046 = arith.extui %sign3A_1045 : i1 to i32
      %sign3A_1047 = arith.constant 0 : i32
      %sign3A_1048 = arith.cmpi slt, %add3A_734, %sign3A_1047 : i32
      %sign3A_1049 = arith.extui %sign3A_1048 : i1 to i32
      %sign3A_1050 = arith.subi %sign3A_1046, %sign3A_1049 : i32
      %sign3A_1051 = arith.constant 0 : i32
      %sign3A_1052 = arith.cmpi sgt, %jit3A_1042, %sign3A_1051 : i32
      %sign3A_1053 = arith.extui %sign3A_1052 : i1 to i32
      %sign3A_1054 = arith.constant 0 : i32
      %sign3A_1055 = arith.cmpi slt, %jit3A_1042, %sign3A_1054 : i32
      %sign3A_1056 = arith.extui %sign3A_1055 : i1 to i32
      %sign3A_1057 = arith.subi %sign3A_1053, %sign3A_1056 : i32
      %ne3A_1058 = arith.cmpi ne, %sign3A_1050, %sign3A_1057 : i32
      %rem3A_1059 = arith.remsi %add3A_734, %jit3A_1042 : i32
      %ne3A_1060 = arith.constant 0 : i32
      %ne3A_1061 = arith.cmpi ne, %rem3A_1059, %ne3A_1060 : i32
      %and3A_1062 = arith.andi %ne3A_1058, %ne3A_1061 : i1
      %sub3A_1063 = arith.constant 1 : i32
      %sub3A_1064 = arith.subi %div3A_1043, %sub3A_1063 : i32
      %select_n3A_1065 = arith.select %and3A_1062, %sub3A_1064, %div3A_1043 : i32
      %jit3A_1066 = arith.constant 13 : i32
      %eq3A_1067 = arith.constant 0 : i32
      %eq3A_1068 = arith.cmpi eq, %jit3A_1066, %eq3A_1067 : i32
      %jit3A_1069 = arith.constant 1 : i32
      %select_n3A_1070 = arith.select %eq3A_1068, %jit3A_1069, %jit3A_1066 : i32
      %rem3A_1071 = arith.remsi %add3A_734, %select_n3A_1070 : i32
      %ne3A_1072 = arith.constant 0 : i32
      %ne3A_1073 = arith.cmpi ne, %rem3A_1071, %ne3A_1072 : i32
      %lt3A_1074 = arith.constant 0 : i32
      %lt3A_1075 = arith.cmpi slt, %rem3A_1071, %lt3A_1074 : i32
      %lt3A_1076 = arith.constant 0 : i32
      %lt3A_1077 = arith.cmpi slt, %select_n3A_1070, %lt3A_1076 : i32
      %ne3A_1078 = arith.xori %lt3A_1075, %lt3A_1077 : i1
      %and3A_1079 = arith.andi %ne3A_1078, %ne3A_1073 : i1
      %add3A_1080 = arith.addi %rem3A_1071, %select_n3A_1070 : i32
      %select_n3A_1081 = arith.select %and3A_1079, %add3A_1080, %rem3A_1071 : i32
      %mul3A_1082 = arith.constant 2 : i32
      %mul3A_1083 = arith.muli %mul3A_1082, %select_n3A_1081 : i32
      %add3A_1084 = arith.constant 0 : i32
      %add3A_1085 = arith.addi %mul3A_1083, %add3A_1084 : i32
      %mul3A_1086 = arith.constant 128 : i32
      %mul3A_1087 = arith.muli %select_n3A_1065, %mul3A_1086 : i32
      %add3A_1088 = arith.constant 0 : i32
      %add3A_1089 = arith.addi %mul3A_1087, %add3A_1088 : i32
      %get3A_1090 = arith.index_cast %add3A_1085 : i32 to index
      %get3A_1091 = arith.index_cast %add3A_1089 : i32 to index
      %get3A_1092 = tpu.vector_load %arg4[%get3A_1090, %get3A_1091] {strides = array<i32>} : memref<26x512xi32, #tpu.memory_space<vmem>>, vector<16xi32>,
      %add3A_1093 = arith.constant 0 : i32
      %add3A_1094 = vector.broadcast %add3A_1093 : i32 to vector<16xi32>
      %add3A_1095 = arith.addi %add3A_1094, %get3A_1092 : vector<16xi32>
      %add3A_1096 = arith.constant 0 : i32
      %add3A_1097 = vector.broadcast %add3A_1096 : i32 to vector<16xi32>
      %add3A_1098 = arith.addi %add3A_1097, %iota3A : vector<16xi32>
      tpu.vector_store_idx %arg5[%add3A_1095, %add3A_1098], %broadcast_in_dim3A_1 : memref<200x128xi32, #tpu.memory_space<vmem>>[vector<16xi32>, vector<16xi32>], vector<16xi32>,
      %mul3A_1099 = arith.constant 128 : i32
      %mul3A_1100 = arith.muli %select_n3A_1065, %mul3A_1099 : i32
      %add3A_1101 = arith.constant 16 : i32
      %add3A_1102 = arith.addi %mul3A_1100, %add3A_1101 : i32
      %get3A_1103 = arith.index_cast %add3A_1085 : i32 to index
      %get3A_1104 = arith.index_cast %add3A_1102 : i32 to index
      %get3A_1105 = tpu.vector_load %arg4[%get3A_1103, %get3A_1104] {strides = array<i32>} : memref<26x512xi32, #tpu.memory_space<vmem>>, vector<16xi32>,
      %add3A_1106 = arith.constant 0 : i32
      %add3A_1107 = vector.broadcast %add3A_1106 : i32 to vector<16xi32>
      %add3A_1108 = arith.addi %add3A_1107, %get3A_1105 : vector<16xi32>
      %add3A_1109 = arith.constant 16 : i32
      %add3A_1110 = vector.broadcast %add3A_1109 : i32 to vector<16xi32>
      %add3A_1111 = arith.addi %add3A_1110, %iota3A : vector<16xi32>
      tpu.vector_store_idx %arg5[%add3A_1108, %add3A_1111], %broadcast_in_dim3A_1 : memref<200x128xi32, #tpu.memory_space<vmem>>[vector<16xi32>, vector<16xi32>], vector<16xi32>,
      %mul3A_1112 = arith.constant 128 : i32
      %mul3A_1113 = arith.muli %select_n3A_1065, %mul3A_1112 : i32
      %add3A_1114 = arith.constant 32 : i32
      %add3A_1115 = arith.addi %mul3A_1113, %add3A_1114 : i32
      %get3A_1116 = arith.index_cast %add3A_1085 : i32 to index
      %get3A_1117 = arith.index_cast %add3A_1115 : i32 to index
      %get3A_1118 = tpu.vector_load %arg4[%get3A_1116, %get3A_1117] {strides = array<i32>} : memref<26x512xi32, #tpu.memory_space<vmem>>, vector<16xi32>,
      %add3A_1119 = arith.constant 0 : i32
      %add3A_1120 = vector.broadcast %add3A_1119 : i32 to vector<16xi32>
      %add3A_1121 = arith.addi %add3A_1120, %get3A_1118 : vector<16xi32>
      %add3A_1122 = arith.constant 32 : i32
      %add3A_1123 = vector.broadcast %add3A_1122 : i32 to vector<16xi32>
      %add3A_1124 = arith.addi %add3A_1123, %iota3A : vector<16xi32>
      tpu.vector_store_idx %arg5[%add3A_1121, %add3A_1124], %broadcast_in_dim3A_1 : memref<200x128xi32, #tpu.memory_space<vmem>>[vector<16xi32>, vector<16xi32>], vector<16xi32>,
      %mul3A_1125 = arith.constant 128 : i32
      %mul3A_1126 = arith.muli %select_n3A_1065, %mul3A_1125 : i32
      %add3A_1127 = arith.constant 48 : i32
      %add3A_1128 = arith.addi %mul3A_1126, %add3A_1127 : i32
      %get3A_1129 = arith.index_cast %add3A_1085 : i32 to index
      %get3A_1130 = arith.index_cast %add3A_1128 : i32 to index
      %get3A_1131 = tpu.vector_load %arg4[%get3A_1129, %get3A_1130] {strides = array<i32>} : memref<26x512xi32, #tpu.memory_space<vmem>>, vector<16xi32>,
      %add3A_1132 = arith.constant 0 : i32
      %add3A_1133 = vector.broadcast %add3A_1132 : i32 to vector<16xi32>
      %add3A_1134 = arith.addi %add3A_1133, %get3A_1131 : vector<16xi32>
      %add3A_1135 = arith.constant 48 : i32
      %add3A_1136 = vector.broadcast %add3A_1135 : i32 to vector<16xi32>
      %add3A_1137 = arith.addi %add3A_1136, %iota3A : vector<16xi32>
      tpu.vector_store_idx %arg5[%add3A_1134, %add3A_1137], %broadcast_in_dim3A_1 : memref<200x128xi32, #tpu.memory_space<vmem>>[vector<16xi32>, vector<16xi32>], vector<16xi32>,
      %mul3A_1138 = arith.constant 128 : i32
      %mul3A_1139 = arith.muli %select_n3A_1065, %mul3A_1138 : i32
      %add3A_1140 = arith.constant 64 : i32
      %add3A_1141 = arith.addi %mul3A_1139, %add3A_1140 : i32
      %get3A_1142 = arith.index_cast %add3A_1085 : i32 to index
      %get3A_1143 = arith.index_cast %add3A_1141 : i32 to index
      %get3A_1144 = tpu.vector_load %arg4[%get3A_1142, %get3A_1143] {strides = array<i32>} : memref<26x512xi32, #tpu.memory_space<vmem>>, vector<16xi32>,
      %add3A_1145 = arith.constant 0 : i32
      %add3A_1146 = vector.broadcast %add3A_1145 : i32 to vector<16xi32>
      %add3A_1147 = arith.addi %add3A_1146, %get3A_1144 : vector<16xi32>
      %add3A_1148 = arith.constant 64 : i32
      %add3A_1149 = vector.broadcast %add3A_1148 : i32 to vector<16xi32>
      %add3A_1150 = arith.addi %add3A_1149, %iota3A : vector<16xi32>
      tpu.vector_store_idx %arg5[%add3A_1147, %add3A_1150], %broadcast_in_dim3A_1 : memref<200x128xi32, #tpu.memory_space<vmem>>[vector<16xi32>, vector<16xi32>], vector<16xi32>,
      %mul3A_1151 = arith.constant 128 : i32
      %mul3A_1152 = arith.muli %select_n3A_1065, %mul3A_1151 : i32
      %add3A_1153 = arith.constant 80 : i32
      %add3A_1154 = arith.addi %mul3A_1152, %add3A_1153 : i32
      %get3A_1155 = arith.index_cast %add3A_1085 : i32 to index
      %get3A_1156 = arith.index_cast %add3A_1154 : i32 to index
      %get3A_1157 = tpu.vector_load %arg4[%get3A_1155, %get3A_1156] {strides = array<i32>} : memref<26x512xi32, #tpu.memory_space<vmem>>, vector<16xi32>,
      %add3A_1158 = arith.constant 0 : i32
      %add3A_1159 = vector.broadcast %add3A_1158 : i32 to vector<16xi32>
      %add3A_1160 = arith.addi %add3A_1159, %get3A_1157 : vector<16xi32>
      %add3A_1161 = arith.constant 80 : i32
      %add3A_1162 = vector.broadcast %add3A_1161 : i32 to vector<16xi32>
      %add3A_1163 = arith.addi %add3A_1162, %iota3A : vector<16xi32>
      tpu.vector_store_idx %arg5[%add3A_1160, %add3A_1163], %broadcast_in_dim3A_1 : memref<200x128xi32, #tpu.memory_space<vmem>>[vector<16xi32>, vector<16xi32>], vector<16xi32>,
      %mul3A_1164 = arith.constant 128 : i32
      %mul3A_1165 = arith.muli %select_n3A_1065, %mul3A_1164 : i32
      %add3A_1166 = arith.constant 96 : i32
      %add3A_1167 = arith.addi %mul3A_1165, %add3A_1166 : i32
      %get3A_1168 = arith.index_cast %add3A_1085 : i32 to index
      %get3A_1169 = arith.index_cast %add3A_1167 : i32 to index
      %get3A_1170 = tpu.vector_load %arg4[%get3A_1168, %get3A_1169] {strides = array<i32>} : memref<26x512xi32, #tpu.memory_space<vmem>>, vector<16xi32>,
      %add3A_1171 = arith.constant 0 : i32
      %add3A_1172 = vector.broadcast %add3A_1171 : i32 to vector<16xi32>
      %add3A_1173 = arith.addi %add3A_1172, %get3A_1170 : vector<16xi32>
      %add3A_1174 = arith.constant 96 : i32
      %add3A_1175 = vector.broadcast %add3A_1174 : i32 to vector<16xi32>
      %add3A_1176 = arith.addi %add3A_1175, %iota3A : vector<16xi32>
      tpu.vector_store_idx %arg5[%add3A_1173, %add3A_1176], %broadcast_in_dim3A_1 : memref<200x128xi32, #tpu.memory_space<vmem>>[vector<16xi32>, vector<16xi32>], vector<16xi32>,
      %mul3A_1177 = arith.constant 128 : i32
      %mul3A_1178 = arith.muli %select_n3A_1065, %mul3A_1177 : i32
      %add3A_1179 = arith.constant 112 : i32
      %add3A_1180 = arith.addi %mul3A_1178, %add3A_1179 : i32
      %get3A_1181 = arith.index_cast %add3A_1085 : i32 to index
      %get3A_1182 = arith.index_cast %add3A_1180 : i32 to index
      %get3A_1183 = tpu.vector_load %arg4[%get3A_1181, %get3A_1182] {strides = array<i32>} : memref<26x512xi32, #tpu.memory_space<vmem>>, vector<16xi32>,
      %add3A_1184 = arith.constant 0 : i32
      %add3A_1185 = vector.broadcast %add3A_1184 : i32 to vector<16xi32>
      %add3A_1186 = arith.addi %add3A_1185, %get3A_1183 : vector<16xi32>
      %add3A_1187 = arith.constant 112 : i32
      %add3A_1188 = vector.broadcast %add3A_1187 : i32 to vector<16xi32>
      %add3A_1189 = arith.addi %add3A_1188, %iota3A : vector<16xi32>
      tpu.vector_store_idx %arg5[%add3A_1186, %add3A_1189], %broadcast_in_dim3A_1 : memref<200x128xi32, #tpu.memory_space<vmem>>[vector<16xi32>, vector<16xi32>], vector<16xi32>,
      %mul3A_1190 = arith.constant 2 : i32
      %mul3A_1191 = arith.muli %mul3A_1190, %select_n3A_1081 : i32
      %add3A_1192 = arith.constant 1 : i32
      %add3A_1193 = arith.addi %mul3A_1191, %add3A_1192 : i32
      %mul3A_1194 = arith.constant 128 : i32
      %mul3A_1195 = arith.muli %select_n3A_1065, %mul3A_1194 : i32
      %add3A_1196 = arith.constant 0 : i32
      %add3A_1197 = arith.addi %mul3A_1195, %add3A_1196 : i32
      %get3A_1198 = arith.index_cast %add3A_1193 : i32 to index
      %get3A_1199 = arith.index_cast %add3A_1197 : i32 to index
      %get3A_1200 = tpu.vector_load %arg4[%get3A_1198, %get3A_1199] {strides = array<i32>} : memref<26x512xi32, #tpu.memory_space<vmem>>, vector<16xi32>,
      %add3A_1201 = arith.constant 100 : i32
      %add3A_1202 = vector.broadcast %add3A_1201 : i32 to vector<16xi32>
      %add3A_1203 = arith.addi %add3A_1202, %get3A_1200 : vector<16xi32>
      %add3A_1204 = arith.constant 0 : i32
      %add3A_1205 = vector.broadcast %add3A_1204 : i32 to vector<16xi32>
      %add3A_1206 = arith.addi %add3A_1205, %iota3A : vector<16xi32>
      tpu.vector_store_idx %arg5[%add3A_1203, %add3A_1206], %broadcast_in_dim3A_1 : memref<200x128xi32, #tpu.memory_space<vmem>>[vector<16xi32>, vector<16xi32>], vector<16xi32>,
      %mul3A_1207 = arith.constant 128 : i32
      %mul3A_1208 = arith.muli %select_n3A_1065, %mul3A_1207 : i32
      %add3A_1209 = arith.constant 16 : i32
      %add3A_1210 = arith.addi %mul3A_1208, %add3A_1209 : i32
      %get3A_1211 = arith.index_cast %add3A_1193 : i32 to index
      %get3A_1212 = arith.index_cast %add3A_1210 : i32 to index
      %get3A_1213 = tpu.vector_load %arg4[%get3A_1211, %get3A_1212] {strides = array<i32>} : memref<26x512xi32, #tpu.memory_space<vmem>>, vector<16xi32>,
      %add3A_1214 = arith.constant 100 : i32
      %add3A_1215 = vector.broadcast %add3A_1214 : i32 to vector<16xi32>
      %add3A_1216 = arith.addi %add3A_1215, %get3A_1213 : vector<16xi32>
      %add3A_1217 = arith.constant 16 : i32
      %add3A_1218 = vector.broadcast %add3A_1217 : i32 to vector<16xi32>
      %add3A_1219 = arith.addi %add3A_1218, %iota3A : vector<16xi32>
      tpu.vector_store_idx %arg5[%add3A_1216, %add3A_1219], %broadcast_in_dim3A_1 : memref<200x128xi32, #tpu.memory_space<vmem>>[vector<16xi32>, vector<16xi32>], vector<16xi32>,
      %mul3A_1220 = arith.constant 128 : i32
      %mul3A_1221 = arith.muli %select_n3A_1065, %mul3A_1220 : i32
      %add3A_1222 = arith.constant 32 : i32
      %add3A_1223 = arith.addi %mul3A_1221, %add3A_1222 : i32
      %get3A_1224 = arith.index_cast %add3A_1193 : i32 to index
      %get3A_1225 = arith.index_cast %add3A_1223 : i32 to index
      %get3A_1226 = tpu.vector_load %arg4[%get3A_1224, %get3A_1225] {strides = array<i32>} : memref<26x512xi32, #tpu.memory_space<vmem>>, vector<16xi32>,
      %add3A_1227 = arith.constant 100 : i32
      %add3A_1228 = vector.broadcast %add3A_1227 : i32 to vector<16xi32>
      %add3A_1229 = arith.addi %add3A_1228, %get3A_1226 : vector<16xi32>
      %add3A_1230 = arith.constant 32 : i32
      %add3A_1231 = vector.broadcast %add3A_1230 : i32 to vector<16xi32>
      %add3A_1232 = arith.addi %add3A_1231, %iota3A : vector<16xi32>
      tpu.vector_store_idx %arg5[%add3A_1229, %add3A_1232], %broadcast_in_dim3A_1 : memref<200x128xi32, #tpu.memory_space<vmem>>[vector<16xi32>, vector<16xi32>], vector<16xi32>,
      %mul3A_1233 = arith.constant 128 : i32
      %mul3A_1234 = arith.muli %select_n3A_1065, %mul3A_1233 : i32
      %add3A_1235 = arith.constant 48 : i32
      %add3A_1236 = arith.addi %mul3A_1234, %add3A_1235 : i32
      %get3A_1237 = arith.index_cast %add3A_1193 : i32 to index
      %get3A_1238 = arith.index_cast %add3A_1236 : i32 to index
      %get3A_1239 = tpu.vector_load %arg4[%get3A_1237, %get3A_1238] {strides = array<i32>} : memref<26x512xi32, #tpu.memory_space<vmem>>, vector<16xi32>,
      %add3A_1240 = arith.constant 100 : i32
      %add3A_1241 = vector.broadcast %add3A_1240 : i32 to vector<16xi32>
      %add3A_1242 = arith.addi %add3A_1241, %get3A_1239 : vector<16xi32>
      %add3A_1243 = arith.constant 48 : i32
      %add3A_1244 = vector.broadcast %add3A_1243 : i32 to vector<16xi32>
      %add3A_1245 = arith.addi %add3A_1244, %iota3A : vector<16xi32>
      tpu.vector_store_idx %arg5[%add3A_1242, %add3A_1245], %broadcast_in_dim3A_1 : memref<200x128xi32, #tpu.memory_space<vmem>>[vector<16xi32>, vector<16xi32>], vector<16xi32>,
      %mul3A_1246 = arith.constant 128 : i32
      %mul3A_1247 = arith.muli %select_n3A_1065, %mul3A_1246 : i32
      %add3A_1248 = arith.constant 64 : i32
      %add3A_1249 = arith.addi %mul3A_1247, %add3A_1248 : i32
      %get3A_1250 = arith.index_cast %add3A_1193 : i32 to index
      %get3A_1251 = arith.index_cast %add3A_1249 : i32 to index
      %get3A_1252 = tpu.vector_load %arg4[%get3A_1250, %get3A_1251] {strides = array<i32>} : memref<26x512xi32, #tpu.memory_space<vmem>>, vector<16xi32>,
      %add3A_1253 = arith.constant 100 : i32
      %add3A_1254 = vector.broadcast %add3A_1253 : i32 to vector<16xi32>
      %add3A_1255 = arith.addi %add3A_1254, %get3A_1252 : vector<16xi32>
      %add3A_1256 = arith.constant 64 : i32
      %add3A_1257 = vector.broadcast %add3A_1256 : i32 to vector<16xi32>
      %add3A_1258 = arith.addi %add3A_1257, %iota3A : vector<16xi32>
      tpu.vector_store_idx %arg5[%add3A_1255, %add3A_1258], %broadcast_in_dim3A_1 : memref<200x128xi32, #tpu.memory_space<vmem>>[vector<16xi32>, vector<16xi32>], vector<16xi32>,
      %mul3A_1259 = arith.constant 128 : i32
      %mul3A_1260 = arith.muli %select_n3A_1065, %mul3A_1259 : i32
      %add3A_1261 = arith.constant 80 : i32
      %add3A_1262 = arith.addi %mul3A_1260, %add3A_1261 : i32
      %get3A_1263 = arith.index_cast %add3A_1193 : i32 to index
      %get3A_1264 = arith.index_cast %add3A_1262 : i32 to index
      %get3A_1265 = tpu.vector_load %arg4[%get3A_1263, %get3A_1264] {strides = array<i32>} : memref<26x512xi32, #tpu.memory_space<vmem>>, vector<16xi32>,
      %add3A_1266 = arith.constant 100 : i32
      %add3A_1267 = vector.broadcast %add3A_1266 : i32 to vector<16xi32>
      %add3A_1268 = arith.addi %add3A_1267, %get3A_1265 : vector<16xi32>
      %add3A_1269 = arith.constant 80 : i32
      %add3A_1270 = vector.broadcast %add3A_1269 : i32 to vector<16xi32>
      %add3A_1271 = arith.addi %add3A_1270, %iota3A : vector<16xi32>
      tpu.vector_store_idx %arg5[%add3A_1268, %add3A_1271], %broadcast_in_dim3A_1 : memref<200x128xi32, #tpu.memory_space<vmem>>[vector<16xi32>, vector<16xi32>], vector<16xi32>,
      %mul3A_1272 = arith.constant 128 : i32
      %mul3A_1273 = arith.muli %select_n3A_1065, %mul3A_1272 : i32
      %add3A_1274 = arith.constant 96 : i32
      %add3A_1275 = arith.addi %mul3A_1273, %add3A_1274 : i32
      %get3A_1276 = arith.index_cast %add3A_1193 : i32 to index
      %get3A_1277 = arith.index_cast %add3A_1275 : i32 to index
      %get3A_1278 = tpu.vector_load %arg4[%get3A_1276, %get3A_1277] {strides = array<i32>} : memref<26x512xi32, #tpu.memory_space<vmem>>, vector<16xi32>,
      %add3A_1279 = arith.constant 100 : i32
      %add3A_1280 = vector.broadcast %add3A_1279 : i32 to vector<16xi32>
      %add3A_1281 = arith.addi %add3A_1280, %get3A_1278 : vector<16xi32>
      %add3A_1282 = arith.constant 96 : i32
      %add3A_1283 = vector.broadcast %add3A_1282 : i32 to vector<16xi32>
      %add3A_1284 = arith.addi %add3A_1283, %iota3A : vector<16xi32>
      tpu.vector_store_idx %arg5[%add3A_1281, %add3A_1284], %broadcast_in_dim3A_1 : memref<200x128xi32, #tpu.memory_space<vmem>>[vector<16xi32>, vector<16xi32>], vector<16xi32>,
      %mul3A_1285 = arith.constant 128 : i32
      %mul3A_1286 = arith.muli %select_n3A_1065, %mul3A_1285 : i32
      %add3A_1287 = arith.constant 112 : i32
      %add3A_1288 = arith.addi %mul3A_1286, %add3A_1287 : i32
      %get3A_1289 = arith.index_cast %add3A_1193 : i32 to index
      %get3A_1290 = arith.index_cast %add3A_1288 : i32 to index
      %get3A_1291 = tpu.vector_load %arg4[%get3A_1289, %get3A_1290] {strides = array<i32>} : memref<26x512xi32, #tpu.memory_space<vmem>>, vector<16xi32>,
      %add3A_1292 = arith.constant 100 : i32
      %add3A_1293 = vector.broadcast %add3A_1292 : i32 to vector<16xi32>
      %add3A_1294 = arith.addi %add3A_1293, %get3A_1291 : vector<16xi32>
      %add3A_1295 = arith.constant 112 : i32
      %add3A_1296 = vector.broadcast %add3A_1295 : i32 to vector<16xi32>
      %add3A_1297 = arith.addi %add3A_1296, %iota3A : vector<16xi32>
      tpu.vector_store_idx %arg5[%add3A_1294, %add3A_1297], %broadcast_in_dim3A_1 : memref<200x128xi32, #tpu.memory_space<vmem>>[vector<16xi32>, vector<16xi32>], vector<16xi32>,
      %jit3A_1298 = arith.constant 13 : i32
      %div3A_1299 = arith.divsi %add3A_734, %jit3A_1298 : i32
      %sign3A_1300 = arith.constant 0 : i32
      %sign3A_1301 = arith.cmpi sgt, %add3A_734, %sign3A_1300 : i32
      %sign3A_1302 = arith.extui %sign3A_1301 : i1 to i32
      %sign3A_1303 = arith.constant 0 : i32
      %sign3A_1304 = arith.cmpi slt, %add3A_734, %sign3A_1303 : i32
      %sign3A_1305 = arith.extui %sign3A_1304 : i1 to i32
      %sign3A_1306 = arith.subi %sign3A_1302, %sign3A_1305 : i32
      %sign3A_1307 = arith.constant 0 : i32
      %sign3A_1308 = arith.cmpi sgt, %jit3A_1298, %sign3A_1307 : i32
      %sign3A_1309 = arith.extui %sign3A_1308 : i1 to i32
      %sign3A_1310 = arith.constant 0 : i32
      %sign3A_1311 = arith.cmpi slt, %jit3A_1298, %sign3A_1310 : i32
      %sign3A_1312 = arith.extui %sign3A_1311 : i1 to i32
      %sign3A_1313 = arith.subi %sign3A_1309, %sign3A_1312 : i32
      %ne3A_1314 = arith.cmpi ne, %sign3A_1306, %sign3A_1313 : i32
      %rem3A_1315 = arith.remsi %add3A_734, %jit3A_1298 : i32
      %ne3A_1316 = arith.constant 0 : i32
      %ne3A_1317 = arith.cmpi ne, %rem3A_1315, %ne3A_1316 : i32
      %and3A_1318 = arith.andi %ne3A_1314, %ne3A_1317 : i1
      %sub3A_1319 = arith.constant 1 : i32
      %sub3A_1320 = arith.subi %div3A_1299, %sub3A_1319 : i32
      %select_n3A_1321 = arith.select %and3A_1318, %sub3A_1320, %div3A_1299 : i32
      %jit3A_1322 = arith.constant 13 : i32
      %eq3A_1323 = arith.constant 0 : i32
      %eq3A_1324 = arith.cmpi eq, %jit3A_1322, %eq3A_1323 : i32
      %jit3A_1325 = arith.constant 1 : i32
      %select_n3A_1326 = arith.select %eq3A_1324, %jit3A_1325, %jit3A_1322 : i32
      %rem3A_1327 = arith.remsi %add3A_734, %select_n3A_1326 : i32
      %ne3A_1328 = arith.constant 0 : i32
      %ne3A_1329 = arith.cmpi ne, %rem3A_1327, %ne3A_1328 : i32
      %lt3A_1330 = arith.constant 0 : i32
      %lt3A_1331 = arith.cmpi slt, %rem3A_1327, %lt3A_1330 : i32
      %lt3A_1332 = arith.constant 0 : i32
      %lt3A_1333 = arith.cmpi slt, %select_n3A_1326, %lt3A_1332 : i32
      %ne3A_1334 = arith.xori %lt3A_1331, %lt3A_1333 : i1
      %and3A_1335 = arith.andi %ne3A_1334, %ne3A_1329 : i1
      %add3A_1336 = arith.addi %rem3A_1327, %select_n3A_1326 : i32
      %select_n3A_1337 = arith.select %and3A_1335, %add3A_1336, %rem3A_1327 : i32
      %mul3A_1338 = arith.constant 200 : i32
      %mul3A_1339 = arith.muli %select_n3A_1337, %mul3A_1338 : i32
      %mul3A_1340 = arith.constant 128 : i32
      %mul3A_1341 = arith.muli %select_n3A_1321, %mul3A_1340 : i32
      %add3A_1342 = arith.addi %mul3A_5, %mul3A_1341 : i32
      %dma_start3A_1343 = tpu.memref_slice %arg3[%mul3A_1339, %add3A_1342] : memref<2600x16384xi32, #tpu.memory_space<hbm>> -> memref<200x128xi32, #tpu.memory_space<hbm>>
      %dma_start3A_1344 = tpu.memref_slice %arg3[%mul3A_1339, %add3A_1342] : memref<2600x16384xi32, #tpu.memory_space<hbm>> -> memref<200x128xi32, #tpu.memory_space<hbm>>
      tpu.enqueue_dma source(%arg5 : memref<200x128xi32, #tpu.memory_space<vmem>>) target(%dma_start3A_1344 : memref<200x128xi32, #tpu.memory_space<hbm>>) target_semaphore(%arg7 : memref<!tpu.dma_semaphore, #tpu.memory_space<semaphore_mem>>)
      %mul3A_1345 = arith.constant 2 : i32
      %mul3A_1346 = arith.muli %scan3A_730, %mul3A_1345 : i32
      %add3A_1347 = arith.constant 1 : i32
      %add3A_1348 = arith.addi %mul3A_1346, %add3A_1347 : i32
      %sub3A_1349 = arith.constant 2 : i32
      %sub3A_1350 = arith.subi %add3A_1348, %sub3A_1349 : i32
      %jit3A_1351 = arith.constant 13 : i32
      %div3A_1352 = arith.divsi %sub3A_1350, %jit3A_1351 : i32
      %sign3A_1353 = arith.constant 0 : i32
      %sign3A_1354 = arith.cmpi sgt, %sub3A_1350, %sign3A_1353 : i32
      %sign3A_1355 = arith.extui %sign3A_1354 : i1 to i32
      %sign3A_1356 = arith.constant 0 : i32
      %sign3A_1357 = arith.cmpi slt, %sub3A_1350, %sign3A_1356 : i32
      %sign3A_1358 = arith.extui %sign3A_1357 : i1 to i32
      %sign3A_1359 = arith.subi %sign3A_1355, %sign3A_1358 : i32
      %sign3A_1360 = arith.constant 0 : i32
      %sign3A_1361 = arith.cmpi sgt, %jit3A_1351, %sign3A_1360 : i32
      %sign3A_1362 = arith.extui %sign3A_1361 : i1 to i32
      %sign3A_1363 = arith.constant 0 : i32
      %sign3A_1364 = arith.cmpi slt, %jit3A_1351, %sign3A_1363 : i32
      %sign3A_1365 = arith.extui %sign3A_1364 : i1 to i32
      %sign3A_1366 = arith.subi %sign3A_1362, %sign3A_1365 : i32
      %ne3A_1367 = arith.cmpi ne, %sign3A_1359, %sign3A_1366 : i32
      %rem3A_1368 = arith.remsi %sub3A_1350, %jit3A_1351 : i32
      %ne3A_1369 = arith.constant 0 : i32
      %ne3A_1370 = arith.cmpi ne, %rem3A_1368, %ne3A_1369 : i32
      %and3A_1371 = arith.andi %ne3A_1367, %ne3A_1370 : i1
      %sub3A_1372 = arith.constant 1 : i32
      %sub3A_1373 = arith.subi %div3A_1352, %sub3A_1372 : i32
      %select_n3A_1374 = arith.select %and3A_1371, %sub3A_1373, %div3A_1352 : i32
      %jit3A_1375 = arith.constant 13 : i32
      %eq3A_1376 = arith.constant 0 : i32
      %eq3A_1377 = arith.cmpi eq, %jit3A_1375, %eq3A_1376 : i32
      %jit3A_1378 = arith.constant 1 : i32
      %select_n3A_1379 = arith.select %eq3A_1377, %jit3A_1378, %jit3A_1375 : i32
      %rem3A_1380 = arith.remsi %sub3A_1350, %select_n3A_1379 : i32
      %ne3A_1381 = arith.constant 0 : i32
      %ne3A_1382 = arith.cmpi ne, %rem3A_1380, %ne3A_1381 : i32
      %lt3A_1383 = arith.constant 0 : i32
      %lt3A_1384 = arith.cmpi slt, %rem3A_1380, %lt3A_1383 : i32
      %lt3A_1385 = arith.constant 0 : i32
      %lt3A_1386 = arith.cmpi slt, %select_n3A_1379, %lt3A_1385 : i32
      %ne3A_1387 = arith.xori %lt3A_1384, %lt3A_1386 : i1
      %and3A_1388 = arith.andi %ne3A_1387, %ne3A_1382 : i1
      %add3A_1389 = arith.addi %rem3A_1380, %select_n3A_1379 : i32
      %select_n3A_1390 = arith.select %and3A_1388, %add3A_1389, %rem3A_1380 : i32
      %mul3A_1391 = arith.constant 200 : i32
      %mul3A_1392 = arith.muli %select_n3A_1390, %mul3A_1391 : i32
      %mul3A_1393 = arith.constant 128 : i32
      %mul3A_1394 = arith.muli %select_n3A_1374, %mul3A_1393 : i32
      %add3A_1395 = arith.addi %mul3A_5, %mul3A_1394 : i32
      %dma_wait3A_1396 = tpu.memref_slice %arg3[%mul3A_1392, %add3A_1395] : memref<2600x16384xi32, #tpu.memory_space<hbm>> -> memref<200x128xi32, #tpu.memory_space<hbm>>
      %dma_wait3A_1397 = tpu.memref_slice %arg3[%mul3A_1392, %add3A_1395] : memref<2600x16384xi32, #tpu.memory_space<hbm>> -> memref<200x128xi32, #tpu.memory_space<hbm>>
      tpu.wait_dma2 semaphore(%arg8 : memref<!tpu.dma_semaphore, #tpu.memory_space<semaphore_mem>>) src(%arg6 : memref<200x128xi32, #tpu.memory_space<vmem>>) dst(%dma_wait3A_1397 : memref<200x128xi32, #tpu.memory_space<hbm>>)
      %sub3A_1398 = arith.constant 2 : i32
      %sub3A_1399 = arith.subi %add3A_1348, %sub3A_1398 : i32
      %jit3A_1400 = arith.constant 13 : i32
      %div3A_1401 = arith.divsi %sub3A_1399, %jit3A_1400 : i32
      %sign3A_1402 = arith.constant 0 : i32
      %sign3A_1403 = arith.cmpi sgt, %sub3A_1399, %sign3A_1402 : i32
      %sign3A_1404 = arith.extui %sign3A_1403 : i1 to i32
      %sign3A_1405 = arith.constant 0 : i32
      %sign3A_1406 = arith.cmpi slt, %sub3A_1399, %sign3A_1405 : i32
      %sign3A_1407 = arith.extui %sign3A_1406 : i1 to i32
      %sign3A_1408 = arith.subi %sign3A_1404, %sign3A_1407 : i32
      %sign3A_1409 = arith.constant 0 : i32
      %sign3A_1410 = arith.cmpi sgt, %jit3A_1400, %sign3A_1409 : i32
      %sign3A_1411 = arith.extui %sign3A_1410 : i1 to i32
      %sign3A_1412 = arith.constant 0 : i32
      %sign3A_1413 = arith.cmpi slt, %jit3A_1400, %sign3A_1412 : i32
      %sign3A_1414 = arith.extui %sign3A_1413 : i1 to i32
      %sign3A_1415 = arith.subi %sign3A_1411, %sign3A_1414 : i32
      %ne3A_1416 = arith.cmpi ne, %sign3A_1408, %sign3A_1415 : i32
      %rem3A_1417 = arith.remsi %sub3A_1399, %jit3A_1400 : i32
      %ne3A_1418 = arith.constant 0 : i32
      %ne3A_1419 = arith.cmpi ne, %rem3A_1417, %ne3A_1418 : i32
      %and3A_1420 = arith.andi %ne3A_1416, %ne3A_1419 : i1
      %sub3A_1421 = arith.constant 1 : i32
      %sub3A_1422 = arith.subi %div3A_1401, %sub3A_1421 : i32
      %select_n3A_1423 = arith.select %and3A_1420, %sub3A_1422, %div3A_1401 : i32
      %jit3A_1424 = arith.constant 13 : i32
      %eq3A_1425 = arith.constant 0 : i32
      %eq3A_1426 = arith.cmpi eq, %jit3A_1424, %eq3A_1425 : i32
      %jit3A_1427 = arith.constant 1 : i32
      %select_n3A_1428 = arith.select %eq3A_1426, %jit3A_1427, %jit3A_1424 : i32
      %rem3A_1429 = arith.remsi %sub3A_1399, %select_n3A_1428 : i32
      %ne3A_1430 = arith.constant 0 : i32
      %ne3A_1431 = arith.cmpi ne, %rem3A_1429, %ne3A_1430 : i32
      %lt3A_1432 = arith.constant 0 : i32
      %lt3A_1433 = arith.cmpi slt, %rem3A_1429, %lt3A_1432 : i32
      %lt3A_1434 = arith.constant 0 : i32
      %lt3A_1435 = arith.cmpi slt, %select_n3A_1428, %lt3A_1434 : i32
      %ne3A_1436 = arith.xori %lt3A_1433, %lt3A_1435 : i1
      %and3A_1437 = arith.andi %ne3A_1436, %ne3A_1431 : i1
      %add3A_1438 = arith.addi %rem3A_1429, %select_n3A_1428 : i32
      %select_n3A_1439 = arith.select %and3A_1437, %add3A_1438, %rem3A_1429 : i32
      %mul3A_1440 = arith.constant 2 : i32
      %mul3A_1441 = arith.muli %mul3A_1440, %select_n3A_1439 : i32
      %add3A_1442 = arith.constant 0 : i32
      %add3A_1443 = arith.addi %mul3A_1441, %add3A_1442 : i32
      %mul3A_1444 = arith.constant 128 : i32
      %mul3A_1445 = arith.muli %select_n3A_1423, %mul3A_1444 : i32
      %add3A_1446 = arith.constant 0 : i32
      %add3A_1447 = arith.addi %mul3A_1445, %add3A_1446 : i32
      %get3A_1448 = arith.index_cast %add3A_1443 : i32 to index
      %get3A_1449 = arith.index_cast %add3A_1447 : i32 to index
      %get3A_1450 = tpu.vector_load %arg4[%get3A_1448, %get3A_1449] {strides = array<i32>} : memref<26x512xi32, #tpu.memory_space<vmem>>, vector<16xi32>,
      %add3A_1451 = arith.constant 0 : i32
      %add3A_1452 = vector.broadcast %add3A_1451 : i32 to vector<16xi32>
      %add3A_1453 = arith.addi %add3A_1452, %get3A_1450 : vector<16xi32>
      %add3A_1454 = arith.constant 0 : i32
      %add3A_1455 = vector.broadcast %add3A_1454 : i32 to vector<16xi32>
      %add3A_1456 = arith.addi %add3A_1455, %iota3A : vector<16xi32>
      tpu.vector_store_idx %arg6[%add3A_1453, %add3A_1456], %broadcast_in_dim3A_3 : memref<200x128xi32, #tpu.memory_space<vmem>>[vector<16xi32>, vector<16xi32>], vector<16xi32>,
      %mul3A_1457 = arith.constant 128 : i32
      %mul3A_1458 = arith.muli %select_n3A_1423, %mul3A_1457 : i32
      %add3A_1459 = arith.constant 16 : i32
      %add3A_1460 = arith.addi %mul3A_1458, %add3A_1459 : i32
      %get3A_1461 = arith.index_cast %add3A_1443 : i32 to index
      %get3A_1462 = arith.index_cast %add3A_1460 : i32 to index
      %get3A_1463 = tpu.vector_load %arg4[%get3A_1461, %get3A_1462] {strides = array<i32>} : memref<26x512xi32, #tpu.memory_space<vmem>>, vector<16xi32>,
      %add3A_1464 = arith.constant 0 : i32
      %add3A_1465 = vector.broadcast %add3A_1464 : i32 to vector<16xi32>
      %add3A_1466 = arith.addi %add3A_1465, %get3A_1463 : vector<16xi32>
      %add3A_1467 = arith.constant 16 : i32
      %add3A_1468 = vector.broadcast %add3A_1467 : i32 to vector<16xi32>
      %add3A_1469 = arith.addi %add3A_1468, %iota3A : vector<16xi32>
      tpu.vector_store_idx %arg6[%add3A_1466, %add3A_1469], %broadcast_in_dim3A_3 : memref<200x128xi32, #tpu.memory_space<vmem>>[vector<16xi32>, vector<16xi32>], vector<16xi32>,
      %mul3A_1470 = arith.constant 128 : i32
      %mul3A_1471 = arith.muli %select_n3A_1423, %mul3A_1470 : i32
      %add3A_1472 = arith.constant 32 : i32
      %add3A_1473 = arith.addi %mul3A_1471, %add3A_1472 : i32
      %get3A_1474 = arith.index_cast %add3A_1443 : i32 to index
      %get3A_1475 = arith.index_cast %add3A_1473 : i32 to index
      %get3A_1476 = tpu.vector_load %arg4[%get3A_1474, %get3A_1475] {strides = array<i32>} : memref<26x512xi32, #tpu.memory_space<vmem>>, vector<16xi32>,
      %add3A_1477 = arith.constant 0 : i32
      %add3A_1478 = vector.broadcast %add3A_1477 : i32 to vector<16xi32>
      %add3A_1479 = arith.addi %add3A_1478, %get3A_1476 : vector<16xi32>
      %add3A_1480 = arith.constant 32 : i32
      %add3A_1481 = vector.broadcast %add3A_1480 : i32 to vector<16xi32>
      %add3A_1482 = arith.addi %add3A_1481, %iota3A : vector<16xi32>
      tpu.vector_store_idx %arg6[%add3A_1479, %add3A_1482], %broadcast_in_dim3A_3 : memref<200x128xi32, #tpu.memory_space<vmem>>[vector<16xi32>, vector<16xi32>], vector<16xi32>,
      %mul3A_1483 = arith.constant 128 : i32
      %mul3A_1484 = arith.muli %select_n3A_1423, %mul3A_1483 : i32
      %add3A_1485 = arith.constant 48 : i32
      %add3A_1486 = arith.addi %mul3A_1484, %add3A_1485 : i32
      %get3A_1487 = arith.index_cast %add3A_1443 : i32 to index
      %get3A_1488 = arith.index_cast %add3A_1486 : i32 to index
      %get3A_1489 = tpu.vector_load %arg4[%get3A_1487, %get3A_1488] {strides = array<i32>} : memref<26x512xi32, #tpu.memory_space<vmem>>, vector<16xi32>,
      %add3A_1490 = arith.constant 0 : i32
      %add3A_1491 = vector.broadcast %add3A_1490 : i32 to vector<16xi32>
      %add3A_1492 = arith.addi %add3A_1491, %get3A_1489 : vector<16xi32>
      %add3A_1493 = arith.constant 48 : i32
      %add3A_1494 = vector.broadcast %add3A_1493 : i32 to vector<16xi32>
      %add3A_1495 = arith.addi %add3A_1494, %iota3A : vector<16xi32>
      tpu.vector_store_idx %arg6[%add3A_1492, %add3A_1495], %broadcast_in_dim3A_3 : memref<200x128xi32, #tpu.memory_space<vmem>>[vector<16xi32>, vector<16xi32>], vector<16xi32>,
      %mul3A_1496 = arith.constant 128 : i32
      %mul3A_1497 = arith.muli %select_n3A_1423, %mul3A_1496 : i32
      %add3A_1498 = arith.constant 64 : i32
      %add3A_1499 = arith.addi %mul3A_1497, %add3A_1498 : i32
      %get3A_1500 = arith.index_cast %add3A_1443 : i32 to index
      %get3A_1501 = arith.index_cast %add3A_1499 : i32 to index
      %get3A_1502 = tpu.vector_load %arg4[%get3A_1500, %get3A_1501] {strides = array<i32>} : memref<26x512xi32, #tpu.memory_space<vmem>>, vector<16xi32>,
      %add3A_1503 = arith.constant 0 : i32
      %add3A_1504 = vector.broadcast %add3A_1503 : i32 to vector<16xi32>
      %add3A_1505 = arith.addi %add3A_1504, %get3A_1502 : vector<16xi32>
      %add3A_1506 = arith.constant 64 : i32
      %add3A_1507 = vector.broadcast %add3A_1506 : i32 to vector<16xi32>
      %add3A_1508 = arith.addi %add3A_1507, %iota3A : vector<16xi32>
      tpu.vector_store_idx %arg6[%add3A_1505, %add3A_1508], %broadcast_in_dim3A_3 : memref<200x128xi32, #tpu.memory_space<vmem>>[vector<16xi32>, vector<16xi32>], vector<16xi32>,
      %mul3A_1509 = arith.constant 128 : i32
      %mul3A_1510 = arith.muli %select_n3A_1423, %mul3A_1509 : i32
      %add3A_1511 = arith.constant 80 : i32
      %add3A_1512 = arith.addi %mul3A_1510, %add3A_1511 : i32
      %get3A_1513 = arith.index_cast %add3A_1443 : i32 to index
      %get3A_1514 = arith.index_cast %add3A_1512 : i32 to index
      %get3A_1515 = tpu.vector_load %arg4[%get3A_1513, %get3A_1514] {strides = array<i32>} : memref<26x512xi32, #tpu.memory_space<vmem>>, vector<16xi32>,
      %add3A_1516 = arith.constant 0 : i32
      %add3A_1517 = vector.broadcast %add3A_1516 : i32 to vector<16xi32>
      %add3A_1518 = arith.addi %add3A_1517, %get3A_1515 : vector<16xi32>
      %add3A_1519 = arith.constant 80 : i32
      %add3A_1520 = vector.broadcast %add3A_1519 : i32 to vector<16xi32>
      %add3A_1521 = arith.addi %add3A_1520, %iota3A : vector<16xi32>
      tpu.vector_store_idx %arg6[%add3A_1518, %add3A_1521], %broadcast_in_dim3A_3 : memref<200x128xi32, #tpu.memory_space<vmem>>[vector<16xi32>, vector<16xi32>], vector<16xi32>,
      %mul3A_1522 = arith.constant 128 : i32
      %mul3A_1523 = arith.muli %select_n3A_1423, %mul3A_1522 : i32
      %add3A_1524 = arith.constant 96 : i32
      %add3A_1525 = arith.addi %mul3A_1523, %add3A_1524 : i32
      %get3A_1526 = arith.index_cast %add3A_1443 : i32 to index
      %get3A_1527 = arith.index_cast %add3A_1525 : i32 to index
      %get3A_1528 = tpu.vector_load %arg4[%get3A_1526, %get3A_1527] {strides = array<i32>} : memref<26x512xi32, #tpu.memory_space<vmem>>, vector<16xi32>,
      %add3A_1529 = arith.constant 0 : i32
      %add3A_1530 = vector.broadcast %add3A_1529 : i32 to vector<16xi32>
      %add3A_1531 = arith.addi %add3A_1530, %get3A_1528 : vector<16xi32>
      %add3A_1532 = arith.constant 96 : i32
      %add3A_1533 = vector.broadcast %add3A_1532 : i32 to vector<16xi32>
      %add3A_1534 = arith.addi %add3A_1533, %iota3A : vector<16xi32>
      tpu.vector_store_idx %arg6[%add3A_1531, %add3A_1534], %broadcast_in_dim3A_3 : memref<200x128xi32, #tpu.memory_space<vmem>>[vector<16xi32>, vector<16xi32>], vector<16xi32>,
      %mul3A_1535 = arith.constant 128 : i32
      %mul3A_1536 = arith.muli %select_n3A_1423, %mul3A_1535 : i32
      %add3A_1537 = arith.constant 112 : i32
      %add3A_1538 = arith.addi %mul3A_1536, %add3A_1537 : i32
      %get3A_1539 = arith.index_cast %add3A_1443 : i32 to index
      %get3A_1540 = arith.index_cast %add3A_1538 : i32 to index
      %get3A_1541 = tpu.vector_load %arg4[%get3A_1539, %get3A_1540] {strides = array<i32>} : memref<26x512xi32, #tpu.memory_space<vmem>>, vector<16xi32>,
      %add3A_1542 = arith.constant 0 : i32
      %add3A_1543 = vector.broadcast %add3A_1542 : i32 to vector<16xi32>
      %add3A_1544 = arith.addi %add3A_1543, %get3A_1541 : vector<16xi32>
      %add3A_1545 = arith.constant 112 : i32
      %add3A_1546 = vector.broadcast %add3A_1545 : i32 to vector<16xi32>
      %add3A_1547 = arith.addi %add3A_1546, %iota3A : vector<16xi32>
      tpu.vector_store_idx %arg6[%add3A_1544, %add3A_1547], %broadcast_in_dim3A_3 : memref<200x128xi32, #tpu.memory_space<vmem>>[vector<16xi32>, vector<16xi32>], vector<16xi32>,
      %mul3A_1548 = arith.constant 2 : i32
      %mul3A_1549 = arith.muli %mul3A_1548, %select_n3A_1439 : i32
      %add3A_1550 = arith.constant 1 : i32
      %add3A_1551 = arith.addi %mul3A_1549, %add3A_1550 : i32
      %mul3A_1552 = arith.constant 128 : i32
      %mul3A_1553 = arith.muli %select_n3A_1423, %mul3A_1552 : i32
      %add3A_1554 = arith.constant 0 : i32
      %add3A_1555 = arith.addi %mul3A_1553, %add3A_1554 : i32
      %get3A_1556 = arith.index_cast %add3A_1551 : i32 to index
      %get3A_1557 = arith.index_cast %add3A_1555 : i32 to index
      %get3A_1558 = tpu.vector_load %arg4[%get3A_1556, %get3A_1557] {strides = array<i32>} : memref<26x512xi32, #tpu.memory_space<vmem>>, vector<16xi32>,
      %add3A_1559 = arith.constant 100 : i32
      %add3A_1560 = vector.broadcast %add3A_1559 : i32 to vector<16xi32>
      %add3A_1561 = arith.addi %add3A_1560, %get3A_1558 : vector<16xi32>
      %add3A_1562 = arith.constant 0 : i32
      %add3A_1563 = vector.broadcast %add3A_1562 : i32 to vector<16xi32>
      %add3A_1564 = arith.addi %add3A_1563, %iota3A : vector<16xi32>
      tpu.vector_store_idx %arg6[%add3A_1561, %add3A_1564], %broadcast_in_dim3A_3 : memref<200x128xi32, #tpu.memory_space<vmem>>[vector<16xi32>, vector<16xi32>], vector<16xi32>,
      %mul3A_1565 = arith.constant 128 : i32
      %mul3A_1566 = arith.muli %select_n3A_1423, %mul3A_1565 : i32
      %add3A_1567 = arith.constant 16 : i32
      %add3A_1568 = arith.addi %mul3A_1566, %add3A_1567 : i32
      %get3A_1569 = arith.index_cast %add3A_1551 : i32 to index
      %get3A_1570 = arith.index_cast %add3A_1568 : i32 to index
      %get3A_1571 = tpu.vector_load %arg4[%get3A_1569, %get3A_1570] {strides = array<i32>} : memref<26x512xi32, #tpu.memory_space<vmem>>, vector<16xi32>,
      %add3A_1572 = arith.constant 100 : i32
      %add3A_1573 = vector.broadcast %add3A_1572 : i32 to vector<16xi32>
      %add3A_1574 = arith.addi %add3A_1573, %get3A_1571 : vector<16xi32>
      %add3A_1575 = arith.constant 16 : i32
      %add3A_1576 = vector.broadcast %add3A_1575 : i32 to vector<16xi32>
      %add3A_1577 = arith.addi %add3A_1576, %iota3A : vector<16xi32>
      tpu.vector_store_idx %arg6[%add3A_1574, %add3A_1577], %broadcast_in_dim3A_3 : memref<200x128xi32, #tpu.memory_space<vmem>>[vector<16xi32>, vector<16xi32>], vector<16xi32>,
      %mul3A_1578 = arith.constant 128 : i32
      %mul3A_1579 = arith.muli %select_n3A_1423, %mul3A_1578 : i32
      %add3A_1580 = arith.constant 32 : i32
      %add3A_1581 = arith.addi %mul3A_1579, %add3A_1580 : i32
      %get3A_1582 = arith.index_cast %add3A_1551 : i32 to index
      %get3A_1583 = arith.index_cast %add3A_1581 : i32 to index
      %get3A_1584 = tpu.vector_load %arg4[%get3A_1582, %get3A_1583] {strides = array<i32>} : memref<26x512xi32, #tpu.memory_space<vmem>>, vector<16xi32>,
      %add3A_1585 = arith.constant 100 : i32
      %add3A_1586 = vector.broadcast %add3A_1585 : i32 to vector<16xi32>
      %add3A_1587 = arith.addi %add3A_1586, %get3A_1584 : vector<16xi32>
      %add3A_1588 = arith.constant 32 : i32
      %add3A_1589 = vector.broadcast %add3A_1588 : i32 to vector<16xi32>
      %add3A_1590 = arith.addi %add3A_1589, %iota3A : vector<16xi32>
      tpu.vector_store_idx %arg6[%add3A_1587, %add3A_1590], %broadcast_in_dim3A_3 : memref<200x128xi32, #tpu.memory_space<vmem>>[vector<16xi32>, vector<16xi32>], vector<16xi32>,
      %mul3A_1591 = arith.constant 128 : i32
      %mul3A_1592 = arith.muli %select_n3A_1423, %mul3A_1591 : i32
      %add3A_1593 = arith.constant 48 : i32
      %add3A_1594 = arith.addi %mul3A_1592, %add3A_1593 : i32
      %get3A_1595 = arith.index_cast %add3A_1551 : i32 to index
      %get3A_1596 = arith.index_cast %add3A_1594 : i32 to index
      %get3A_1597 = tpu.vector_load %arg4[%get3A_1595, %get3A_1596] {strides = array<i32>} : memref<26x512xi32, #tpu.memory_space<vmem>>, vector<16xi32>,
      %add3A_1598 = arith.constant 100 : i32
      %add3A_1599 = vector.broadcast %add3A_1598 : i32 to vector<16xi32>
      %add3A_1600 = arith.addi %add3A_1599, %get3A_1597 : vector<16xi32>
      %add3A_1601 = arith.constant 48 : i32
      %add3A_1602 = vector.broadcast %add3A_1601 : i32 to vector<16xi32>
      %add3A_1603 = arith.addi %add3A_1602, %iota3A : vector<16xi32>
      tpu.vector_store_idx %arg6[%add3A_1600, %add3A_1603], %broadcast_in_dim3A_3 : memref<200x128xi32, #tpu.memory_space<vmem>>[vector<16xi32>, vector<16xi32>], vector<16xi32>,
      %mul3A_1604 = arith.constant 128 : i32
      %mul3A_1605 = arith.muli %select_n3A_1423, %mul3A_1604 : i32
      %add3A_1606 = arith.constant 64 : i32
      %add3A_1607 = arith.addi %mul3A_1605, %add3A_1606 : i32
      %get3A_1608 = arith.index_cast %add3A_1551 : i32 to index
      %get3A_1609 = arith.index_cast %add3A_1607 : i32 to index
      %get3A_1610 = tpu.vector_load %arg4[%get3A_1608, %get3A_1609] {strides = array<i32>} : memref<26x512xi32, #tpu.memory_space<vmem>>, vector<16xi32>,
      %add3A_1611 = arith.constant 100 : i32
      %add3A_1612 = vector.broadcast %add3A_1611 : i32 to vector<16xi32>
      %add3A_1613 = arith.addi %add3A_1612, %get3A_1610 : vector<16xi32>
      %add3A_1614 = arith.constant 64 : i32
      %add3A_1615 = vector.broadcast %add3A_1614 : i32 to vector<16xi32>
      %add3A_1616 = arith.addi %add3A_1615, %iota3A : vector<16xi32>
      tpu.vector_store_idx %arg6[%add3A_1613, %add3A_1616], %broadcast_in_dim3A_3 : memref<200x128xi32, #tpu.memory_space<vmem>>[vector<16xi32>, vector<16xi32>], vector<16xi32>,
      %mul3A_1617 = arith.constant 128 : i32
      %mul3A_1618 = arith.muli %select_n3A_1423, %mul3A_1617 : i32
      %add3A_1619 = arith.constant 80 : i32
      %add3A_1620 = arith.addi %mul3A_1618, %add3A_1619 : i32
      %get3A_1621 = arith.index_cast %add3A_1551 : i32 to index
      %get3A_1622 = arith.index_cast %add3A_1620 : i32 to index
      %get3A_1623 = tpu.vector_load %arg4[%get3A_1621, %get3A_1622] {strides = array<i32>} : memref<26x512xi32, #tpu.memory_space<vmem>>, vector<16xi32>,
      %add3A_1624 = arith.constant 100 : i32
      %add3A_1625 = vector.broadcast %add3A_1624 : i32 to vector<16xi32>
      %add3A_1626 = arith.addi %add3A_1625, %get3A_1623 : vector<16xi32>
      %add3A_1627 = arith.constant 80 : i32
      %add3A_1628 = vector.broadcast %add3A_1627 : i32 to vector<16xi32>
      %add3A_1629 = arith.addi %add3A_1628, %iota3A : vector<16xi32>
      tpu.vector_store_idx %arg6[%add3A_1626, %add3A_1629], %broadcast_in_dim3A_3 : memref<200x128xi32, #tpu.memory_space<vmem>>[vector<16xi32>, vector<16xi32>], vector<16xi32>,
      %mul3A_1630 = arith.constant 128 : i32
      %mul3A_1631 = arith.muli %select_n3A_1423, %mul3A_1630 : i32
      %add3A_1632 = arith.constant 96 : i32
      %add3A_1633 = arith.addi %mul3A_1631, %add3A_1632 : i32
      %get3A_1634 = arith.index_cast %add3A_1551 : i32 to index
      %get3A_1635 = arith.index_cast %add3A_1633 : i32 to index
      %get3A_1636 = tpu.vector_load %arg4[%get3A_1634, %get3A_1635] {strides = array<i32>} : memref<26x512xi32, #tpu.memory_space<vmem>>, vector<16xi32>,
      %add3A_1637 = arith.constant 100 : i32
      %add3A_1638 = vector.broadcast %add3A_1637 : i32 to vector<16xi32>
      %add3A_1639 = arith.addi %add3A_1638, %get3A_1636 : vector<16xi32>
      %add3A_1640 = arith.constant 96 : i32
      %add3A_1641 = vector.broadcast %add3A_1640 : i32 to vector<16xi32>
      %add3A_1642 = arith.addi %add3A_1641, %iota3A : vector<16xi32>
      tpu.vector_store_idx %arg6[%add3A_1639, %add3A_1642], %broadcast_in_dim3A_3 : memref<200x128xi32, #tpu.memory_space<vmem>>[vector<16xi32>, vector<16xi32>], vector<16xi32>,
      %mul3A_1643 = arith.constant 128 : i32
      %mul3A_1644 = arith.muli %select_n3A_1423, %mul3A_1643 : i32
      %add3A_1645 = arith.constant 112 : i32
      %add3A_1646 = arith.addi %mul3A_1644, %add3A_1645 : i32
      %get3A_1647 = arith.index_cast %add3A_1551 : i32 to index
      %get3A_1648 = arith.index_cast %add3A_1646 : i32 to index
      %get3A_1649 = tpu.vector_load %arg4[%get3A_1647, %get3A_1648] {strides = array<i32>} : memref<26x512xi32, #tpu.memory_space<vmem>>, vector<16xi32>,
      %add3A_1650 = arith.constant 100 : i32
      %add3A_1651 = vector.broadcast %add3A_1650 : i32 to vector<16xi32>
      %add3A_1652 = arith.addi %add3A_1651, %get3A_1649 : vector<16xi32>
      %add3A_1653 = arith.constant 112 : i32
      %add3A_1654 = vector.broadcast %add3A_1653 : i32 to vector<16xi32>
      %add3A_1655 = arith.addi %add3A_1654, %iota3A : vector<16xi32>
      tpu.vector_store_idx %arg6[%add3A_1652, %add3A_1655], %broadcast_in_dim3A_3 : memref<200x128xi32, #tpu.memory_space<vmem>>[vector<16xi32>, vector<16xi32>], vector<16xi32>,
      %jit3A_1656 = arith.constant 13 : i32
      %div3A_1657 = arith.divsi %add3A_1348, %jit3A_1656 : i32
      %sign3A_1658 = arith.constant 0 : i32
      %sign3A_1659 = arith.cmpi sgt, %add3A_1348, %sign3A_1658 : i32
      %sign3A_1660 = arith.extui %sign3A_1659 : i1 to i32
      %sign3A_1661 = arith.constant 0 : i32
      %sign3A_1662 = arith.cmpi slt, %add3A_1348, %sign3A_1661 : i32
      %sign3A_1663 = arith.extui %sign3A_1662 : i1 to i32
      %sign3A_1664 = arith.subi %sign3A_1660, %sign3A_1663 : i32
      %sign3A_1665 = arith.constant 0 : i32
      %sign3A_1666 = arith.cmpi sgt, %jit3A_1656, %sign3A_1665 : i32
      %sign3A_1667 = arith.extui %sign3A_1666 : i1 to i32
      %sign3A_1668 = arith.constant 0 : i32
      %sign3A_1669 = arith.cmpi slt, %jit3A_1656, %sign3A_1668 : i32
      %sign3A_1670 = arith.extui %sign3A_1669 : i1 to i32
      %sign3A_1671 = arith.subi %sign3A_1667, %sign3A_1670 : i32
      %ne3A_1672 = arith.cmpi ne, %sign3A_1664, %sign3A_1671 : i32
      %rem3A_1673 = arith.remsi %add3A_1348, %jit3A_1656 : i32
      %ne3A_1674 = arith.constant 0 : i32
      %ne3A_1675 = arith.cmpi ne, %rem3A_1673, %ne3A_1674 : i32
      %and3A_1676 = arith.andi %ne3A_1672, %ne3A_1675 : i1
      %sub3A_1677 = arith.constant 1 : i32
      %sub3A_1678 = arith.subi %div3A_1657, %sub3A_1677 : i32
      %select_n3A_1679 = arith.select %and3A_1676, %sub3A_1678, %div3A_1657 : i32
      %jit3A_1680 = arith.constant 13 : i32
      %eq3A_1681 = arith.constant 0 : i32
      %eq3A_1682 = arith.cmpi eq, %jit3A_1680, %eq3A_1681 : i32
      %jit3A_1683 = arith.constant 1 : i32
      %select_n3A_1684 = arith.select %eq3A_1682, %jit3A_1683, %jit3A_1680 : i32
      %rem3A_1685 = arith.remsi %add3A_1348, %select_n3A_1684 : i32
      %ne3A_1686 = arith.constant 0 : i32
      %ne3A_1687 = arith.cmpi ne, %rem3A_1685, %ne3A_1686 : i32
      %lt3A_1688 = arith.constant 0 : i32
      %lt3A_1689 = arith.cmpi slt, %rem3A_1685, %lt3A_1688 : i32
      %lt3A_1690 = arith.constant 0 : i32
      %lt3A_1691 = arith.cmpi slt, %select_n3A_1684, %lt3A_1690 : i32
      %ne3A_1692 = arith.xori %lt3A_1689, %lt3A_1691 : i1
      %and3A_1693 = arith.andi %ne3A_1692, %ne3A_1687 : i1
      %add3A_1694 = arith.addi %rem3A_1685, %select_n3A_1684 : i32
      %select_n3A_1695 = arith.select %and3A_1693, %add3A_1694, %rem3A_1685 : i32
      %mul3A_1696 = arith.constant 2 : i32
      %mul3A_1697 = arith.muli %mul3A_1696, %select_n3A_1695 : i32
      %add3A_1698 = arith.constant 0 : i32
      %add3A_1699 = arith.addi %mul3A_1697, %add3A_1698 : i32
      %mul3A_1700 = arith.constant 128 : i32
      %mul3A_1701 = arith.muli %select_n3A_1679, %mul3A_1700 : i32
      %add3A_1702 = arith.constant 0 : i32
      %add3A_1703 = arith.addi %mul3A_1701, %add3A_1702 : i32
      %get3A_1704 = arith.index_cast %add3A_1699 : i32 to index
      %get3A_1705 = arith.index_cast %add3A_1703 : i32 to index
      %get3A_1706 = tpu.vector_load %arg4[%get3A_1704, %get3A_1705] {strides = array<i32>} : memref<26x512xi32, #tpu.memory_space<vmem>>, vector<16xi32>,
      %add3A_1707 = arith.constant 0 : i32
      %add3A_1708 = vector.broadcast %add3A_1707 : i32 to vector<16xi32>
      %add3A_1709 = arith.addi %add3A_1708, %get3A_1706 : vector<16xi32>
      %add3A_1710 = arith.constant 0 : i32
      %add3A_1711 = vector.broadcast %add3A_1710 : i32 to vector<16xi32>
      %add3A_1712 = arith.addi %add3A_1711, %iota3A : vector<16xi32>
      tpu.vector_store_idx %arg6[%add3A_1709, %add3A_1712], %broadcast_in_dim3A_1 : memref<200x128xi32, #tpu.memory_space<vmem>>[vector<16xi32>, vector<16xi32>], vector<16xi32>,
      %mul3A_1713 = arith.constant 128 : i32
      %mul3A_1714 = arith.muli %select_n3A_1679, %mul3A_1713 : i32
      %add3A_1715 = arith.constant 16 : i32
      %add3A_1716 = arith.addi %mul3A_1714, %add3A_1715 : i32
      %get3A_1717 = arith.index_cast %add3A_1699 : i32 to index
      %get3A_1718 = arith.index_cast %add3A_1716 : i32 to index
      %get3A_1719 = tpu.vector_load %arg4[%get3A_1717, %get3A_1718] {strides = array<i32>} : memref<26x512xi32, #tpu.memory_space<vmem>>, vector<16xi32>,
      %add3A_1720 = arith.constant 0 : i32
      %add3A_1721 = vector.broadcast %add3A_1720 : i32 to vector<16xi32>
      %add3A_1722 = arith.addi %add3A_1721, %get3A_1719 : vector<16xi32>
      %add3A_1723 = arith.constant 16 : i32
      %add3A_1724 = vector.broadcast %add3A_1723 : i32 to vector<16xi32>
      %add3A_1725 = arith.addi %add3A_1724, %iota3A : vector<16xi32>
      tpu.vector_store_idx %arg6[%add3A_1722, %add3A_1725], %broadcast_in_dim3A_1 : memref<200x128xi32, #tpu.memory_space<vmem>>[vector<16xi32>, vector<16xi32>], vector<16xi32>,
      %mul3A_1726 = arith.constant 128 : i32
      %mul3A_1727 = arith.muli %select_n3A_1679, %mul3A_1726 : i32
      %add3A_1728 = arith.constant 32 : i32
      %add3A_1729 = arith.addi %mul3A_1727, %add3A_1728 : i32
      %get3A_1730 = arith.index_cast %add3A_1699 : i32 to index
      %get3A_1731 = arith.index_cast %add3A_1729 : i32 to index
      %get3A_1732 = tpu.vector_load %arg4[%get3A_1730, %get3A_1731] {strides = array<i32>} : memref<26x512xi32, #tpu.memory_space<vmem>>, vector<16xi32>,
      %add3A_1733 = arith.constant 0 : i32
      %add3A_1734 = vector.broadcast %add3A_1733 : i32 to vector<16xi32>
      %add3A_1735 = arith.addi %add3A_1734, %get3A_1732 : vector<16xi32>
      %add3A_1736 = arith.constant 32 : i32
      %add3A_1737 = vector.broadcast %add3A_1736 : i32 to vector<16xi32>
      %add3A_1738 = arith.addi %add3A_1737, %iota3A : vector<16xi32>
      tpu.vector_store_idx %arg6[%add3A_1735, %add3A_1738], %broadcast_in_dim3A_1 : memref<200x128xi32, #tpu.memory_space<vmem>>[vector<16xi32>, vector<16xi32>], vector<16xi32>,
      %mul3A_1739 = arith.constant 128 : i32
      %mul3A_1740 = arith.muli %select_n3A_1679, %mul3A_1739 : i32
      %add3A_1741 = arith.constant 48 : i32
      %add3A_1742 = arith.addi %mul3A_1740, %add3A_1741 : i32
      %get3A_1743 = arith.index_cast %add3A_1699 : i32 to index
      %get3A_1744 = arith.index_cast %add3A_1742 : i32 to index
      %get3A_1745 = tpu.vector_load %arg4[%get3A_1743, %get3A_1744] {strides = array<i32>} : memref<26x512xi32, #tpu.memory_space<vmem>>, vector<16xi32>,
      %add3A_1746 = arith.constant 0 : i32
      %add3A_1747 = vector.broadcast %add3A_1746 : i32 to vector<16xi32>
      %add3A_1748 = arith.addi %add3A_1747, %get3A_1745 : vector<16xi32>
      %add3A_1749 = arith.constant 48 : i32
      %add3A_1750 = vector.broadcast %add3A_1749 : i32 to vector<16xi32>
      %add3A_1751 = arith.addi %add3A_1750, %iota3A : vector<16xi32>
      tpu.vector_store_idx %arg6[%add3A_1748, %add3A_1751], %broadcast_in_dim3A_1 : memref<200x128xi32, #tpu.memory_space<vmem>>[vector<16xi32>, vector<16xi32>], vector<16xi32>,
      %mul3A_1752 = arith.constant 128 : i32
      %mul3A_1753 = arith.muli %select_n3A_1679, %mul3A_1752 : i32
      %add3A_1754 = arith.constant 64 : i32
      %add3A_1755 = arith.addi %mul3A_1753, %add3A_1754 : i32
      %get3A_1756 = arith.index_cast %add3A_1699 : i32 to index
      %get3A_1757 = arith.index_cast %add3A_1755 : i32 to index
      %get3A_1758 = tpu.vector_load %arg4[%get3A_1756, %get3A_1757] {strides = array<i32>} : memref<26x512xi32, #tpu.memory_space<vmem>>, vector<16xi32>,
      %add3A_1759 = arith.constant 0 : i32
      %add3A_1760 = vector.broadcast %add3A_1759 : i32 to vector<16xi32>
      %add3A_1761 = arith.addi %add3A_1760, %get3A_1758 : vector<16xi32>
      %add3A_1762 = arith.constant 64 : i32
      %add3A_1763 = vector.broadcast %add3A_1762 : i32 to vector<16xi32>
      %add3A_1764 = arith.addi %add3A_1763, %iota3A : vector<16xi32>
      tpu.vector_store_idx %arg6[%add3A_1761, %add3A_1764], %broadcast_in_dim3A_1 : memref<200x128xi32, #tpu.memory_space<vmem>>[vector<16xi32>, vector<16xi32>], vector<16xi32>,
      %mul3A_1765 = arith.constant 128 : i32
      %mul3A_1766 = arith.muli %select_n3A_1679, %mul3A_1765 : i32
      %add3A_1767 = arith.constant 80 : i32
      %add3A_1768 = arith.addi %mul3A_1766, %add3A_1767 : i32
      %get3A_1769 = arith.index_cast %add3A_1699 : i32 to index
      %get3A_1770 = arith.index_cast %add3A_1768 : i32 to index
      %get3A_1771 = tpu.vector_load %arg4[%get3A_1769, %get3A_1770] {strides = array<i32>} : memref<26x512xi32, #tpu.memory_space<vmem>>, vector<16xi32>,
      %add3A_1772 = arith.constant 0 : i32
      %add3A_1773 = vector.broadcast %add3A_1772 : i32 to vector<16xi32>
      %add3A_1774 = arith.addi %add3A_1773, %get3A_1771 : vector<16xi32>
      %add3A_1775 = arith.constant 80 : i32
      %add3A_1776 = vector.broadcast %add3A_1775 : i32 to vector<16xi32>
      %add3A_1777 = arith.addi %add3A_1776, %iota3A : vector<16xi32>
      tpu.vector_store_idx %arg6[%add3A_1774, %add3A_1777], %broadcast_in_dim3A_1 : memref<200x128xi32, #tpu.memory_space<vmem>>[vector<16xi32>, vector<16xi32>], vector<16xi32>,
      %mul3A_1778 = arith.constant 128 : i32
      %mul3A_1779 = arith.muli %select_n3A_1679, %mul3A_1778 : i32
      %add3A_1780 = arith.constant 96 : i32
      %add3A_1781 = arith.addi %mul3A_1779, %add3A_1780 : i32
      %get3A_1782 = arith.index_cast %add3A_1699 : i32 to index
      %get3A_1783 = arith.index_cast %add3A_1781 : i32 to index
      %get3A_1784 = tpu.vector_load %arg4[%get3A_1782, %get3A_1783] {strides = array<i32>} : memref<26x512xi32, #tpu.memory_space<vmem>>, vector<16xi32>,
      %add3A_1785 = arith.constant 0 : i32
      %add3A_1786 = vector.broadcast %add3A_1785 : i32 to vector<16xi32>
      %add3A_1787 = arith.addi %add3A_1786, %get3A_1784 : vector<16xi32>
      %add3A_1788 = arith.constant 96 : i32
      %add3A_1789 = vector.broadcast %add3A_1788 : i32 to vector<16xi32>
      %add3A_1790 = arith.addi %add3A_1789, %iota3A : vector<16xi32>
      tpu.vector_store_idx %arg6[%add3A_1787, %add3A_1790], %broadcast_in_dim3A_1 : memref<200x128xi32, #tpu.memory_space<vmem>>[vector<16xi32>, vector<16xi32>], vector<16xi32>,
      %mul3A_1791 = arith.constant 128 : i32
      %mul3A_1792 = arith.muli %select_n3A_1679, %mul3A_1791 : i32
      %add3A_1793 = arith.constant 112 : i32
      %add3A_1794 = arith.addi %mul3A_1792, %add3A_1793 : i32
      %get3A_1795 = arith.index_cast %add3A_1699 : i32 to index
      %get3A_1796 = arith.index_cast %add3A_1794 : i32 to index
      %get3A_1797 = tpu.vector_load %arg4[%get3A_1795, %get3A_1796] {strides = array<i32>} : memref<26x512xi32, #tpu.memory_space<vmem>>, vector<16xi32>,
      %add3A_1798 = arith.constant 0 : i32
      %add3A_1799 = vector.broadcast %add3A_1798 : i32 to vector<16xi32>
      %add3A_1800 = arith.addi %add3A_1799, %get3A_1797 : vector<16xi32>
      %add3A_1801 = arith.constant 112 : i32
      %add3A_1802 = vector.broadcast %add3A_1801 : i32 to vector<16xi32>
      %add3A_1803 = arith.addi %add3A_1802, %iota3A : vector<16xi32>
      tpu.vector_store_idx %arg6[%add3A_1800, %add3A_1803], %broadcast_in_dim3A_1 : memref<200x128xi32, #tpu.memory_space<vmem>>[vector<16xi32>, vector<16xi32>], vector<16xi32>,
      %mul3A_1804 = arith.constant 2 : i32
      %mul3A_1805 = arith.muli %mul3A_1804, %select_n3A_1695 : i32
      %add3A_1806 = arith.constant 1 : i32
      %add3A_1807 = arith.addi %mul3A_1805, %add3A_1806 : i32
      %mul3A_1808 = arith.constant 128 : i32
      %mul3A_1809 = arith.muli %select_n3A_1679, %mul3A_1808 : i32
      %add3A_1810 = arith.constant 0 : i32
      %add3A_1811 = arith.addi %mul3A_1809, %add3A_1810 : i32
      %get3A_1812 = arith.index_cast %add3A_1807 : i32 to index
      %get3A_1813 = arith.index_cast %add3A_1811 : i32 to index
      %get3A_1814 = tpu.vector_load %arg4[%get3A_1812, %get3A_1813] {strides = array<i32>} : memref<26x512xi32, #tpu.memory_space<vmem>>, vector<16xi32>,
      %add3A_1815 = arith.constant 100 : i32
      %add3A_1816 = vector.broadcast %add3A_1815 : i32 to vector<16xi32>
      %add3A_1817 = arith.addi %add3A_1816, %get3A_1814 : vector<16xi32>
      %add3A_1818 = arith.constant 0 : i32
      %add3A_1819 = vector.broadcast %add3A_1818 : i32 to vector<16xi32>
      %add3A_1820 = arith.addi %add3A_1819, %iota3A : vector<16xi32>
      tpu.vector_store_idx %arg6[%add3A_1817, %add3A_1820], %broadcast_in_dim3A_1 : memref<200x128xi32, #tpu.memory_space<vmem>>[vector<16xi32>, vector<16xi32>], vector<16xi32>,
      %mul3A_1821 = arith.constant 128 : i32
      %mul3A_1822 = arith.muli %select_n3A_1679, %mul3A_1821 : i32
      %add3A_1823 = arith.constant 16 : i32
      %add3A_1824 = arith.addi %mul3A_1822, %add3A_1823 : i32
      %get3A_1825 = arith.index_cast %add3A_1807 : i32 to index
      %get3A_1826 = arith.index_cast %add3A_1824 : i32 to index
      %get3A_1827 = tpu.vector_load %arg4[%get3A_1825, %get3A_1826] {strides = array<i32>} : memref<26x512xi32, #tpu.memory_space<vmem>>, vector<16xi32>,
      %add3A_1828 = arith.constant 100 : i32
      %add3A_1829 = vector.broadcast %add3A_1828 : i32 to vector<16xi32>
      %add3A_1830 = arith.addi %add3A_1829, %get3A_1827 : vector<16xi32>
      %add3A_1831 = arith.constant 16 : i32
      %add3A_1832 = vector.broadcast %add3A_1831 : i32 to vector<16xi32>
      %add3A_1833 = arith.addi %add3A_1832, %iota3A : vector<16xi32>
      tpu.vector_store_idx %arg6[%add3A_1830, %add3A_1833], %broadcast_in_dim3A_1 : memref<200x128xi32, #tpu.memory_space<vmem>>[vector<16xi32>, vector<16xi32>], vector<16xi32>,
      %mul3A_1834 = arith.constant 128 : i32
      %mul3A_1835 = arith.muli %select_n3A_1679, %mul3A_1834 : i32
      %add3A_1836 = arith.constant 32 : i32
      %add3A_1837 = arith.addi %mul3A_1835, %add3A_1836 : i32
      %get3A_1838 = arith.index_cast %add3A_1807 : i32 to index
      %get3A_1839 = arith.index_cast %add3A_1837 : i32 to index
      %get3A_1840 = tpu.vector_load %arg4[%get3A_1838, %get3A_1839] {strides = array<i32>} : memref<26x512xi32, #tpu.memory_space<vmem>>, vector<16xi32>,
      %add3A_1841 = arith.constant 100 : i32
      %add3A_1842 = vector.broadcast %add3A_1841 : i32 to vector<16xi32>
      %add3A_1843 = arith.addi %add3A_1842, %get3A_1840 : vector<16xi32>
      %add3A_1844 = arith.constant 32 : i32
      %add3A_1845 = vector.broadcast %add3A_1844 : i32 to vector<16xi32>
      %add3A_1846 = arith.addi %add3A_1845, %iota3A : vector<16xi32>
      tpu.vector_store_idx %arg6[%add3A_1843, %add3A_1846], %broadcast_in_dim3A_1 : memref<200x128xi32, #tpu.memory_space<vmem>>[vector<16xi32>, vector<16xi32>], vector<16xi32>,
      %mul3A_1847 = arith.constant 128 : i32
      %mul3A_1848 = arith.muli %select_n3A_1679, %mul3A_1847 : i32
      %add3A_1849 = arith.constant 48 : i32
      %add3A_1850 = arith.addi %mul3A_1848, %add3A_1849 : i32
      %get3A_1851 = arith.index_cast %add3A_1807 : i32 to index
      %get3A_1852 = arith.index_cast %add3A_1850 : i32 to index
      %get3A_1853 = tpu.vector_load %arg4[%get3A_1851, %get3A_1852] {strides = array<i32>} : memref<26x512xi32, #tpu.memory_space<vmem>>, vector<16xi32>,
      %add3A_1854 = arith.constant 100 : i32
      %add3A_1855 = vector.broadcast %add3A_1854 : i32 to vector<16xi32>
      %add3A_1856 = arith.addi %add3A_1855, %get3A_1853 : vector<16xi32>
      %add3A_1857 = arith.constant 48 : i32
      %add3A_1858 = vector.broadcast %add3A_1857 : i32 to vector<16xi32>
      %add3A_1859 = arith.addi %add3A_1858, %iota3A : vector<16xi32>
      tpu.vector_store_idx %arg6[%add3A_1856, %add3A_1859], %broadcast_in_dim3A_1 : memref<200x128xi32, #tpu.memory_space<vmem>>[vector<16xi32>, vector<16xi32>], vector<16xi32>,
      %mul3A_1860 = arith.constant 128 : i32
      %mul3A_1861 = arith.muli %select_n3A_1679, %mul3A_1860 : i32
      %add3A_1862 = arith.constant 64 : i32
      %add3A_1863 = arith.addi %mul3A_1861, %add3A_1862 : i32
      %get3A_1864 = arith.index_cast %add3A_1807 : i32 to index
      %get3A_1865 = arith.index_cast %add3A_1863 : i32 to index
      %get3A_1866 = tpu.vector_load %arg4[%get3A_1864, %get3A_1865] {strides = array<i32>} : memref<26x512xi32, #tpu.memory_space<vmem>>, vector<16xi32>,
      %add3A_1867 = arith.constant 100 : i32
      %add3A_1868 = vector.broadcast %add3A_1867 : i32 to vector<16xi32>
      %add3A_1869 = arith.addi %add3A_1868, %get3A_1866 : vector<16xi32>
      %add3A_1870 = arith.constant 64 : i32
      %add3A_1871 = vector.broadcast %add3A_1870 : i32 to vector<16xi32>
      %add3A_1872 = arith.addi %add3A_1871, %iota3A : vector<16xi32>
      tpu.vector_store_idx %arg6[%add3A_1869, %add3A_1872], %broadcast_in_dim3A_1 : memref<200x128xi32, #tpu.memory_space<vmem>>[vector<16xi32>, vector<16xi32>], vector<16xi32>,
      %mul3A_1873 = arith.constant 128 : i32
      %mul3A_1874 = arith.muli %select_n3A_1679, %mul3A_1873 : i32
      %add3A_1875 = arith.constant 80 : i32
      %add3A_1876 = arith.addi %mul3A_1874, %add3A_1875 : i32
      %get3A_1877 = arith.index_cast %add3A_1807 : i32 to index
      %get3A_1878 = arith.index_cast %add3A_1876 : i32 to index
      %get3A_1879 = tpu.vector_load %arg4[%get3A_1877, %get3A_1878] {strides = array<i32>} : memref<26x512xi32, #tpu.memory_space<vmem>>, vector<16xi32>,
      %add3A_1880 = arith.constant 100 : i32
      %add3A_1881 = vector.broadcast %add3A_1880 : i32 to vector<16xi32>
      %add3A_1882 = arith.addi %add3A_1881, %get3A_1879 : vector<16xi32>
      %add3A_1883 = arith.constant 80 : i32
      %add3A_1884 = vector.broadcast %add3A_1883 : i32 to vector<16xi32>
      %add3A_1885 = arith.addi %add3A_1884, %iota3A : vector<16xi32>
      tpu.vector_store_idx %arg6[%add3A_1882, %add3A_1885], %broadcast_in_dim3A_1 : memref<200x128xi32, #tpu.memory_space<vmem>>[vector<16xi32>, vector<16xi32>], vector<16xi32>,
      %mul3A_1886 = arith.constant 128 : i32
      %mul3A_1887 = arith.muli %select_n3A_1679, %mul3A_1886 : i32
      %add3A_1888 = arith.constant 96 : i32
      %add3A_1889 = arith.addi %mul3A_1887, %add3A_1888 : i32
      %get3A_1890 = arith.index_cast %add3A_1807 : i32 to index
      %get3A_1891 = arith.index_cast %add3A_1889 : i32 to index
      %get3A_1892 = tpu.vector_load %arg4[%get3A_1890, %get3A_1891] {strides = array<i32>} : memref<26x512xi32, #tpu.memory_space<vmem>>, vector<16xi32>,
      %add3A_1893 = arith.constant 100 : i32
      %add3A_1894 = vector.broadcast %add3A_1893 : i32 to vector<16xi32>
      %add3A_1895 = arith.addi %add3A_1894, %get3A_1892 : vector<16xi32>
      %add3A_1896 = arith.constant 96 : i32
      %add3A_1897 = vector.broadcast %add3A_1896 : i32 to vector<16xi32>
      %add3A_1898 = arith.addi %add3A_1897, %iota3A : vector<16xi32>
      tpu.vector_store_idx %arg6[%add3A_1895, %add3A_1898], %broadcast_in_dim3A_1 : memref<200x128xi32, #tpu.memory_space<vmem>>[vector<16xi32>, vector<16xi32>], vector<16xi32>,
      %mul3A_1899 = arith.constant 128 : i32
      %mul3A_1900 = arith.muli %select_n3A_1679, %mul3A_1899 : i32
      %add3A_1901 = arith.constant 112 : i32
      %add3A_1902 = arith.addi %mul3A_1900, %add3A_1901 : i32
      %get3A_1903 = arith.index_cast %add3A_1807 : i32 to index
      %get3A_1904 = arith.index_cast %add3A_1902 : i32 to index
      %get3A_1905 = tpu.vector_load %arg4[%get3A_1903, %get3A_1904] {strides = array<i32>} : memref<26x512xi32, #tpu.memory_space<vmem>>, vector<16xi32>,
      %add3A_1906 = arith.constant 100 : i32
      %add3A_1907 = vector.broadcast %add3A_1906 : i32 to vector<16xi32>
      %add3A_1908 = arith.addi %add3A_1907, %get3A_1905 : vector<16xi32>
      %add3A_1909 = arith.constant 112 : i32
      %add3A_1910 = vector.broadcast %add3A_1909 : i32 to vector<16xi32>
      %add3A_1911 = arith.addi %add3A_1910, %iota3A : vector<16xi32>
      tpu.vector_store_idx %arg6[%add3A_1908, %add3A_1911], %broadcast_in_dim3A_1 : memref<200x128xi32, #tpu.memory_space<vmem>>[vector<16xi32>, vector<16xi32>], vector<16xi32>,
      %jit3A_1912 = arith.constant 13 : i32
      %div3A_1913 = arith.divsi %add3A_1348, %jit3A_1912 : i32
      %sign3A_1914 = arith.constant 0 : i32
      %sign3A_1915 = arith.cmpi sgt, %add3A_1348, %sign3A_1914 : i32
      %sign3A_1916 = arith.extui %sign3A_1915 : i1 to i32
      %sign3A_1917 = arith.constant 0 : i32
      %sign3A_1918 = arith.cmpi slt, %add3A_1348, %sign3A_1917 : i32
      %sign3A_1919 = arith.extui %sign3A_1918 : i1 to i32
      %sign3A_1920 = arith.subi %sign3A_1916, %sign3A_1919 : i32
      %sign3A_1921 = arith.constant 0 : i32
      %sign3A_1922 = arith.cmpi sgt, %jit3A_1912, %sign3A_1921 : i32
      %sign3A_1923 = arith.extui %sign3A_1922 : i1 to i32
      %sign3A_1924 = arith.constant 0 : i32
      %sign3A_1925 = arith.cmpi slt, %jit3A_1912, %sign3A_1924 : i32
      %sign3A_1926 = arith.extui %sign3A_1925 : i1 to i32
      %sign3A_1927 = arith.subi %sign3A_1923, %sign3A_1926 : i32
      %ne3A_1928 = arith.cmpi ne, %sign3A_1920, %sign3A_1927 : i32
      %rem3A_1929 = arith.remsi %add3A_1348, %jit3A_1912 : i32
      %ne3A_1930 = arith.constant 0 : i32
      %ne3A_1931 = arith.cmpi ne, %rem3A_1929, %ne3A_1930 : i32
      %and3A_1932 = arith.andi %ne3A_1928, %ne3A_1931 : i1
      %sub3A_1933 = arith.constant 1 : i32
      %sub3A_1934 = arith.subi %div3A_1913, %sub3A_1933 : i32
      %select_n3A_1935 = arith.select %and3A_1932, %sub3A_1934, %div3A_1913 : i32
      %jit3A_1936 = arith.constant 13 : i32
      %eq3A_1937 = arith.constant 0 : i32
      %eq3A_1938 = arith.cmpi eq, %jit3A_1936, %eq3A_1937 : i32
      %jit3A_1939 = arith.constant 1 : i32
      %select_n3A_1940 = arith.select %eq3A_1938, %jit3A_1939, %jit3A_1936 : i32
      %rem3A_1941 = arith.remsi %add3A_1348, %select_n3A_1940 : i32
      %ne3A_1942 = arith.constant 0 : i32
      %ne3A_1943 = arith.cmpi ne, %rem3A_1941, %ne3A_1942 : i32
      %lt3A_1944 = arith.constant 0 : i32
      %lt3A_1945 = arith.cmpi slt, %rem3A_1941, %lt3A_1944 : i32
      %lt3A_1946 = arith.constant 0 : i32
      %lt3A_1947 = arith.cmpi slt, %select_n3A_1940, %lt3A_1946 : i32
      %ne3A_1948 = arith.xori %lt3A_1945, %lt3A_1947 : i1
      %and3A_1949 = arith.andi %ne3A_1948, %ne3A_1943 : i1
      %add3A_1950 = arith.addi %rem3A_1941, %select_n3A_1940 : i32
      %select_n3A_1951 = arith.select %and3A_1949, %add3A_1950, %rem3A_1941 : i32
      %mul3A_1952 = arith.constant 200 : i32
      %mul3A_1953 = arith.muli %select_n3A_1951, %mul3A_1952 : i32
      %mul3A_1954 = arith.constant 128 : i32
      %mul3A_1955 = arith.muli %select_n3A_1935, %mul3A_1954 : i32
      %add3A_1956 = arith.addi %mul3A_5, %mul3A_1955 : i32
      %dma_start3A_1957 = tpu.memref_slice %arg3[%mul3A_1953, %add3A_1956] : memref<2600x16384xi32, #tpu.memory_space<hbm>> -> memref<200x128xi32, #tpu.memory_space<hbm>>
      %dma_start3A_1958 = tpu.memref_slice %arg3[%mul3A_1953, %add3A_1956] : memref<2600x16384xi32, #tpu.memory_space<hbm>> -> memref<200x128xi32, #tpu.memory_space<hbm>>
      tpu.enqueue_dma source(%arg6 : memref<200x128xi32, #tpu.memory_space<vmem>>) target(%dma_start3A_1958 : memref<200x128xi32, #tpu.memory_space<hbm>>) target_semaphore(%arg8 : memref<!tpu.dma_semaphore, #tpu.memory_space<semaphore_mem>>)
    }
    %scan3A_631 = arith.constant 25 : i32
    %jit3A_632 = arith.constant 50 : i32
    %jit3A_633 = arith.constant 13 : i32
    %div3A_634 = arith.divsi %jit3A_632, %jit3A_633 : i32
    %sign3A_635 = arith.constant 0 : i32
    %sign3A_636 = arith.cmpi sgt, %jit3A_632, %sign3A_635 : i32
    %sign3A_637 = arith.extui %sign3A_636 : i1 to i32
    %sign3A_638 = arith.constant 0 : i32
    %sign3A_639 = arith.cmpi slt, %jit3A_632, %sign3A_638 : i32
    %sign3A_640 = arith.extui %sign3A_639 : i1 to i32
    %sign3A_641 = arith.subi %sign3A_637, %sign3A_640 : i32
    %sign3A_642 = arith.constant 0 : i32
    %sign3A_643 = arith.cmpi sgt, %jit3A_633, %sign3A_642 : i32
    %sign3A_644 = arith.extui %sign3A_643 : i1 to i32
    %sign3A_645 = arith.constant 0 : i32
    %sign3A_646 = arith.cmpi slt, %jit3A_633, %sign3A_645 : i32
    %sign3A_647 = arith.extui %sign3A_646 : i1 to i32
    %sign3A_648 = arith.subi %sign3A_644, %sign3A_647 : i32
    %ne3A_649 = arith.cmpi ne, %sign3A_641, %sign3A_648 : i32
    %rem3A_650 = arith.remsi %jit3A_632, %jit3A_633 : i32
    %ne3A_651 = arith.constant 0 : i32
    %ne3A_652 = arith.cmpi ne, %rem3A_650, %ne3A_651 : i32
    %and3A_653 = arith.andi %ne3A_649, %ne3A_652 : i1
    %sub3A_654 = arith.constant 1 : i32
    %sub3A_655 = arith.subi %div3A_634, %sub3A_654 : i32
    %select_n3A_656 = arith.select %and3A_653, %sub3A_655, %div3A_634 : i32
    %jit3A_657 = arith.constant 50 : i32
    %jit3A_658 = arith.constant 13 : i32
    %eq3A_659 = arith.constant 0 : i32
    %eq3A_660 = arith.cmpi eq, %jit3A_658, %eq3A_659 : i32
    %jit3A_661 = arith.constant 1 : i32
    %select_n3A_662 = arith.select %eq3A_660, %jit3A_661, %jit3A_658 : i32
    %rem3A_663 = arith.remsi %jit3A_657, %select_n3A_662 : i32
    %ne3A_664 = arith.constant 0 : i32
    %ne3A_665 = arith.cmpi ne, %rem3A_663, %ne3A_664 : i32
    %lt3A_666 = arith.constant 0 : i32
    %lt3A_667 = arith.cmpi slt, %rem3A_663, %lt3A_666 : i32
    %lt3A_668 = arith.constant 0 : i32
    %lt3A_669 = arith.cmpi slt, %select_n3A_662, %lt3A_668 : i32
    %ne3A_670 = arith.xori %lt3A_667, %lt3A_669 : i1
    %and3A_671 = arith.andi %ne3A_670, %ne3A_665 : i1
    %add3A_672 = arith.addi %rem3A_663, %select_n3A_662 : i32
    %select_n3A_673 = arith.select %and3A_671, %add3A_672, %rem3A_663 : i32
    %mul3A_674 = arith.constant 200 : i32
    %mul3A_675 = arith.muli %select_n3A_673, %mul3A_674 : i32
    %mul3A_676 = arith.constant 128 : i32
    %mul3A_677 = arith.muli %select_n3A_656, %mul3A_676 : i32
    %add3A_678 = arith.addi %mul3A_5, %mul3A_677 : i32
    %dma_wait3A_679 = tpu.memref_slice %arg3[%mul3A_675, %add3A_678] : memref<2600x16384xi32, #tpu.memory_space<hbm>> -> memref<200x128xi32, #tpu.memory_space<hbm>>
    %dma_wait3A_680 = tpu.memref_slice %arg3[%mul3A_675, %add3A_678] : memref<2600x16384xi32, #tpu.memory_space<hbm>> -> memref<200x128xi32, #tpu.memory_space<hbm>>
    tpu.wait_dma2 semaphore(%arg7 : memref<!tpu.dma_semaphore, #tpu.memory_space<semaphore_mem>>) src(%arg5 : memref<200x128xi32, #tpu.memory_space<vmem>>) dst(%dma_wait3A_680 : memref<200x128xi32, #tpu.memory_space<hbm>>)
    %jit3A_681 = arith.constant 51 : i32
    %jit3A_682 = arith.constant 13 : i32
    %div3A_683 = arith.divsi %jit3A_681, %jit3A_682 : i32
    %sign3A_684 = arith.constant 0 : i32
    %sign3A_685 = arith.cmpi sgt, %jit3A_681, %sign3A_684 : i32
    %sign3A_686 = arith.extui %sign3A_685 : i1 to i32
    %sign3A_687 = arith.constant 0 : i32
    %sign3A_688 = arith.cmpi slt, %jit3A_681, %sign3A_687 : i32
    %sign3A_689 = arith.extui %sign3A_688 : i1 to i32
    %sign3A_690 = arith.subi %sign3A_686, %sign3A_689 : i32
    %sign3A_691 = arith.constant 0 : i32
    %sign3A_692 = arith.cmpi sgt, %jit3A_682, %sign3A_691 : i32
    %sign3A_693 = arith.extui %sign3A_692 : i1 to i32
    %sign3A_694 = arith.constant 0 : i32
    %sign3A_695 = arith.cmpi slt, %jit3A_682, %sign3A_694 : i32
    %sign3A_696 = arith.extui %sign3A_695 : i1 to i32
    %sign3A_697 = arith.subi %sign3A_693, %sign3A_696 : i32
    %ne3A_698 = arith.cmpi ne, %sign3A_690, %sign3A_697 : i32
    %rem3A_699 = arith.remsi %jit3A_681, %jit3A_682 : i32
    %ne3A_700 = arith.constant 0 : i32
    %ne3A_701 = arith.cmpi ne, %rem3A_699, %ne3A_700 : i32
    %and3A_702 = arith.andi %ne3A_698, %ne3A_701 : i1
    %sub3A_703 = arith.constant 1 : i32
    %sub3A_704 = arith.subi %div3A_683, %sub3A_703 : i32
    %select_n3A_705 = arith.select %and3A_702, %sub3A_704, %div3A_683 : i32
    %jit3A_706 = arith.constant 51 : i32
    %jit3A_707 = arith.constant 13 : i32
    %eq3A_708 = arith.constant 0 : i32
    %eq3A_709 = arith.cmpi eq, %jit3A_707, %eq3A_708 : i32
    %jit3A_710 = arith.constant 1 : i32
    %select_n3A_711 = arith.select %eq3A_709, %jit3A_710, %jit3A_707 : i32
    %rem3A_712 = arith.remsi %jit3A_706, %select_n3A_711 : i32
    %ne3A_713 = arith.constant 0 : i32
    %ne3A_714 = arith.cmpi ne, %rem3A_712, %ne3A_713 : i32
    %lt3A_715 = arith.constant 0 : i32
    %lt3A_716 = arith.cmpi slt, %rem3A_712, %lt3A_715 : i32
    %lt3A_717 = arith.constant 0 : i32
    %lt3A_718 = arith.cmpi slt, %select_n3A_711, %lt3A_717 : i32
    %ne3A_719 = arith.xori %lt3A_716, %lt3A_718 : i1
    %and3A_720 = arith.andi %ne3A_719, %ne3A_714 : i1
    %add3A_721 = arith.addi %rem3A_712, %select_n3A_711 : i32
    %select_n3A_722 = arith.select %and3A_720, %add3A_721, %rem3A_712 : i32
    %mul3A_723 = arith.constant 200 : i32
    %mul3A_724 = arith.muli %select_n3A_722, %mul3A_723 : i32
    %mul3A_725 = arith.constant 128 : i32
    %mul3A_726 = arith.muli %select_n3A_705, %mul3A_725 : i32
    %add3A_727 = arith.addi %mul3A_5, %mul3A_726 : i32
    %dma_wait3A_728 = tpu.memref_slice %arg3[%mul3A_724, %add3A_727] : memref<2600x16384xi32, #tpu.memory_space<hbm>> -> memref<200x128xi32, #tpu.memory_space<hbm>>
    %dma_wait3A_729 = tpu.memref_slice %arg3[%mul3A_724, %add3A_727] : memref<2600x16384xi32, #tpu.memory_space<hbm>> -> memref<200x128xi32, #tpu.memory_space<hbm>>
    tpu.wait_dma2 semaphore(%arg8 : memref<!tpu.dma_semaphore, #tpu.memory_space<semaphore_mem>>) src(%arg6 : memref<200x128xi32, #tpu.memory_space<vmem>>) dst(%dma_wait3A_729 : memref<200x128xi32, #tpu.memory_space<hbm>>)
    return
  }
}

</mosaic_0001>

<sc_bundles>
// kernel: kernel.3.cloned.1.call-start
scs
__scs_entry_jumppad:
0x0: {  	(pc) =	sbr.rel $0x88, $3  }
0x1: {  	(tag) =	ssettag $0x0;
	lr =	simm.s32 $0x1  }
0x2: {  	[smem:$0x3FA0] =	sst lr;
	_ =	strace $0xD0000000  }
0x3: {  	_ = 	snop  }
0x4: {  	_ = 	snop  }
0x5: {  	_ = 	snop  }
0x6: {  	_ = 	snop  }
0x7: {  	_ = 	snop  }
__scs_overlays_trampoline_lowered:
0x8: {  	[smem:$0x3FAF] =	sst s0  }
0x9: {  	[smem:$0x3FB0] =	sst s1  }
0xa: {  	[smem:$0x3FB1] =	sst s2  }
0xb: {  	[smem:$0x3FB2] =	sst s3  }
0xc: {  	[smem:$0x3FB3] =	sst s4  }
0xd: {  	[smem:$0x3FB4] =	sst s5  }
0xe: {  	[smem:$0x3FB5] =	sst s6  }
0xf: {  	[smem:$0x3FB6] =	sst s7  }
0x10: {  	[smem:$0x3FB7] =	sst s8  }
0x11: {  	[smem:$0x3FB8] =	sst s9;
	s0 =	simm.s32 @!p0 $0x0  }
0x12: {  	s1 =	sld [smem:$0x3F9E];
	s0 =	simm.s32 @p0 $0x1  }
0x13: {  	[smem:$0x3FB9] =	sst s0;
	s0 =	simm.s32 @!p1 $0x0  }
0x14: {  	s2 =	sld [smem:$0x3F9D];
	s0 =	simm.s32 @p1 $0x1  }
0x15: {  	[smem:$0x3FBA] =	sst s0;
	s0 =	simm.s32 @!p2 $0x0  }
0x16: {  	s3 =	sld [smem:$0x3FDB];
	s0 =	simm.s32 @p2 $0x1  }
0x17: {  	s4 =	simm.s32 $0x1BF5;
	[smem:$0x3FBC] =	sst s0  }
0x18: {  	s0 =	sld [smem:$0x3F9F];
	_ =	swait.ge [sflag:s4], $0x0  }
0x19: {  	s7 =	sld [smem:$0x3FA0]  }
0x1a: {  	s8 =	sadd.s32 $0xFFFFE003, lr  }
0x1b: {  	s9 =	sadd.s32 $0xFFFFFEF7, lr;
	s5 =	simm.s32 $0xFFFFFFFF;
	p2 =	slt.u32 s8, $0xFFFFF086  }
0x1c: {  	p1 =	slt.u32 s9, $0xF7A;
	s5 =	simm.s32 @!p2 $0x0  }
0x1d: {  	s5 =	simm.s32 @p1 $0x1;
	p0 =	seq.s32 s7, s2  }
0x1e: {  	s7 =	smul.u32 @!p0 $0xF7A, s2;
	p2 =	seq.s32 @!p0 s5, $0x0  }
0x1f: {  	s9 =	smul.u32 $0xF7A, s1;
	s8 =	simm.s32 @!p0 $0x1BF5;
	p2 =	por !p2, p0  }
0x20: {  	[sflag:s8] =	ssyncset.s32 @!p0 $0xFFFFF086;
	s6 =	sadd.s32 @!p0 s3, s7;
	s7 =	simm.s32 @!p0 $0x108  }
0x21: {  	s3 =	sadd.s32 s3, s9;
	s6 =	sadd.s32 @!p0 $0x88, s6;
	s7 =	simm.s32 @p2 $0x1082  }
0x22: {  	[simem:s7], [sflag:s8] =	dma.local @!p0 [hbm:s6], $0xF7A  }
0x23: {  	s9 =	sor.u32 $0xD0000000, s2;
	s6 =	simm.s32 $0x108;
	_ =	swait.ge @!p0 [sflag:s8], $0x0  }
0x24: {  	s3 =	sadd.s32 $0x88, s3;
	s6 =	simm.s32 @!p1 $0x1082;
	[sflag:s4] =	ssyncset.s32 $0xFFFFF086  }
0x25: {  	[simem:s6], [sflag:s4] =	dma.local [hbm:s3], $0xF7A  }
0x26: {  	[smem:$0x3FA0] =	sst s1;
	(tag) =	ssettag s2;
	_ =	strace s9  }
0x27: {  	s1 =	sld [smem:$0x3FB0]  }
0x28: {  	s2 =	sld [smem:$0x3FB1]  }
0x29: {  	s4 =	sld [smem:$0x3FB3]  }
0x2a: {  	p0 =	seq.s32 s5, $0x0;
	s5 =	sld [smem:$0x3FB4]  }
0x2b: {  	s6 =	sld [smem:$0x3FB5]  }
0x2c: {  	s7 =	sld [smem:$0x3FB6]  }
0x2d: {  	s3 =	simm.s32 $0x108;
	s8 =	sld [smem:$0x3FB7]  }
0x2e: {  	s3 =	simm.s32 @!p0 $0x1082;
	s9 =	sld [smem:$0x3FB8]  }
0x2f: {  	lr =	sadd.s32 s0, s3;
	s0 =	sld [smem:$0x3FAF]  }
0x30: {  	s3 =	sld [smem:$0x3FB2]  }
0x31: {  	[smem:$0x3FBB] =	sst s10  }
0x32: {  	s10 =	sld [smem:$0x3FB9];
	_ =	sdelay $0x3  }
0x33: {  	p0 =	seq.s32 s10, $0x1;
	s10 =	sld [smem:$0x3FBB];
	_ =	sdelay $0x3  }
0x34: {  	[smem:$0x3FBB] =	sst s10  }
0x35: {  	s10 =	sld [smem:$0x3FBA];
	_ =	sdelay $0x3  }
0x36: {  	p1 =	seq.s32 s10, $0x1;
	s10 =	sld [smem:$0x3FBB];
	_ =	sdelay $0x3  }
0x37: {  	[smem:$0x3FBB] =	sst s10  }
0x38: {  	s10 =	sld [smem:$0x3FBC]  }
0x39: {  	_ = 	snop;
	(pc) =	sbr.ind lr, $3  }
0x3a: {  	_ = 	snop  }
0x3b: {  	_ = 	snop  }
0x3c: {  	p2 =	seq.s32 s10, $0x1;
	s10 =	sld [smem:$0x3FBB]  }
0x3d: {  	_ =	shalt  }
0x3e: {  	_ =	shalt  }
0x3f: {  	_ =	shalt  }
0x40: {  	_ =	shalt  }
0x41: {  	_ =	shalt  }
0x42: {  	_ =	shalt  }
0x43: {  	_ =	shalt  }
0x44: {  	_ =	shalt  }
0x45: {  	_ =	shalt  }
0x46: {  	_ =	shalt  }
0x47: {  	_ =	shalt  }
0x48: {  	_ =	shalt  }
0x49: {  	_ =	shalt  }
0x4a: {  	_ =	shalt  }
0x4b: {  	_ =	shalt  }
0x4c: {  	_ =	shalt  }
0x4d: {  	_ =	shalt  }
0x4e: {  	_ =	shalt  }
0x4f: {  	_ =	shalt  }
0x50: {  	_ =	shalt  }
0x51: {  	_ =	shalt  }
0x52: {  	_ =	shalt  }
0x53: {  	_ =	shalt  }
0x54: {  	_ =	shalt  }
0x55: {  	_ =	shalt  }
0x56: {  	_ =	shalt  }
0x57: {  	_ =	shalt  }
0x58: {  	_ =	shalt  }
0x59: {  	_ =	shalt  }
0x5a: {  	_ =	shalt  }
0x5b: {  	_ =	shalt  }
0x5c: {  	_ =	shalt  }
0x5d: {  	_ =	shalt  }
0x5e: {  	_ =	shalt  }
0x5f: {  	_ =	shalt  }
0x60: {  	_ =	shalt  }
0x61: {  	_ =	shalt  }
0x62: {  	_ =	shalt  }
0x63: {  	_ =	shalt  }
0x64: {  	_ =	shalt  }
0x65: {  	_ =	shalt  }
0x66: {  	_ =	shalt  }
0x67: {  	_ =	shalt  }
0x68: {  	_ =	shalt  }
0x69: {  	_ =	shalt  }
0x6a: {  	_ =	shalt  }
0x6b: {  	_ =	shalt  }
0x6c: {  	_ =	shalt  }
0x6d: {  	_ =	shalt  }
0x6e: {  	_ =	shalt  }
0x6f: {  	_ =	shalt  }
0x70: {  	_ =	shalt  }
0x71: {  	_ =	shalt  }
0x72: {  	_ =	shalt  }
0x73: {  	_ =	shalt  }
0x74: {  	_ =	shalt  }
0x75: {  	_ =	shalt  }
0x76: {  	_ =	shalt  }
0x77: {  	_ =	shalt  }
0x78: {  	_ =	shalt  }
0x79: {  	_ =	shalt  }
0x7a: {  	_ =	shalt  }
0x7b: {  	_ =	shalt  }
0x7c: {  	_ =	shalt  }
0x7d: {  	_ =	shalt  }
0x7e: {  	_ =	shalt  }
0x7f: {  	_ =	shalt  }
0x80: {  	_ =	shalt  }
0x81: {  	_ =	shalt  }
0x82: {  	_ =	shalt  }
0x83: {  	_ =	shalt  }
0x84: {  	_ =	shalt  }
0x85: {  	_ =	shalt  }
0x86: {  	_ =	shalt  }
0x87: {  	_ =	shalt  }
.Lfunc_end0:
.L_simem_size_0:
called_computation_lowered:
.L_overlay_start_0:
0x88: {  	s2 =	sld [smem:$0x3FD9]  }
0x89: {  	s3 =	sld [smem:$0x3FFE];
	_ =	sdelay $0x1  }
0x8a: {  	s1 =	srdreg.scid  }
0x8b: {  	s0 =	sand.u32 $0x1, s1  }
0x8c: {  	s18 =	sshll.u32 s0, $0xA;
	s2 =	sadd.s32 s3, s2  }
0x8d: {  	s2 =	sadd.s32 s2, s18  }
0x8e: {  	[smem:$0x3FC7] =	sst s2  }
0x8f: {  	_ = 	snop  }
0x90: {  	s2 =	sld [smem:$0x3FC9]  }
0x91: {  	s19 =	sld [smem:$0x3FD0];
	(tm) =	ssettm $0x1  }
0x92: {  	s4 =	sld [smem:$0x3FFB];
	_ =	sdelay $0x3  }
0x93: {  	_ =	strace s4  }
0x94: {  	s4 =	sld [smem:$0x3FFC];
	_ =	sdelay $0x3  }
0x95: {  	_ =	strace s4  }
0x96: {  	s4 =	sld [smem:$0x3FFD];
	_ =	sdelay $0x3  }
0x97: {  	_ =	strace s4  }
0x98: {  	_ =	strace $0x8FFFFFFF  }
0x99: {  	s20 =	sld [smem:$0x3FDB];
	_ =	sdelay $0x1  }
0x9a: {  	s5 =	simm.s32 $_scs_section_size  }
0x9b: {  	s6 =	simm.s32 $_size__tile_overlayer_lowered;
	s7 =	simm.s32 $_tile_overlayer_lowered  }
0x9c: {  	s23 =	simm.s32 $0x1BFF;
	s22 =	sshll.u32 s7, $0x1;
	s4 =	sadd.s32 s5, s20  }
0x9d: {  	s8 =	simm.s32 $0x0;
	s21 =	sshll.u32 s6, $0x1;
	s6 =	sadd.s32 s22, s4  }
0x9e: {  	[timem:s8], [sflag:s23] =	dma.local [hbm:s6], s21  }
0x9f: {  	_ =	swait.ge [sflag:s23], s21  }
0xa0: {  	s5 =	ssub.s32 $0x0, s21;
	[sflag:s23] =	ssyncset.done $0x0  }
0xa1: {  	[sflag:s23] =	ssyncadd.s32 s5;
	_ =	sdelay $0x1  }
0xa2: {  	s24 =	simm.s32 $0x1B8B  }
0xa3: {  	_ =	swait.ge [sflag:s24], $0x1  }
0xa4: {  	[sflag:s24] =	ssyncset.done $0x0  }
0xa5: {  	s25 =	simm.s32 $0x1B8E;
	[sflag:s24] =	ssyncadd.s32 $0xFFFFFFFF  }
0xa6: {  	s26 =	simm.s32 $execute0_lowered;
	[smem:$0x3FD2] =	sst s25  }
0xa7: {  	s5 =	sshll.u32 s26, $0x1;
	_ =	strace $0x80000046;
	[dreg:$0x1] =	wrdreg $0xFFFFFFFF  }
0xa8: {  	s28 =	simm.s32 $_size_execute0_lowered;
	s4 =	sadd.s32 s4, s5;
	[dreg:$0x0] =	wrdreg $0x0  }
0xa9: {  	s5 =	sshll.u32 s28, $0x1;
	[dreg:$0x2] =	wrdreg s4  }
0xaa: {  	[dreg:$0x3] =	wrdreg s5  }
0xab: {  	[dreg:$0x4] =	wrdreg $0xC0  }
0xac: {  	_ =	task [dreg:s8], $0x5FFFF  }
0xad: {  	[dreg:$0x1] =	wrdreg $0xFFFFFFFF  }
0xae: {  	[dreg:$0x0] =	wrdreg $0x60  }
0xaf: {  	[dreg:$0x2] =	wrdreg s2  }
0xb0: {  	[dreg:$0x3] =	wrdreg s19  }
0xb1: {  	[dreg:$0x4] =	wrdreg $0x9  }
0xb2: {  	_ =	task.clear_ibuf [dreg:s8], $0x5FFFF;
	_ =	strace $0x90000046  }
0xb3: {  	s29 =	simm.s32 $0x9;
	_ =	strace $0x80000048  }
0xb4: {  	_ =	swait.ge [sflag:s29], $0x1  }
0xb5: {  	[sflag:s29] =	ssyncadd.s32 $0xFFFFFFFF  }
0xb6: {  	_ =	strace $0x90000048  }
0xb7: {  	_ =	sfence  }
0xb8: {  	s30 =	sld [smem:$0x0];
	_ =	sdelay $0x2  }
0xb9: {  	s31 =	sshll.u32 s1, $0xD;
	s1 =	sshrl.u32 s1, $0x2  }
0xba: {  	s3 =	sand.u32 $0x4000, s31;
	s1 =	sadd.s32 s1, s30  }
0xbb: {  	s0 =	sor.u32 s3, s0;
	s1 =	sshll.u32 s1, $0x11  }
0xbc: {  	s0 =	sor.u32 s1, s0  }
0xbd: {  	s0 =	sadd.s32 $0x8F2B, s0  }
0xbe: {  	[sflag:s0] =	ssyncadd.remote.s32 $0x1  }
0xbf: {  	_ =	sfence.sel $0xFFFF  }
0xc0: {  	[dreg:$0x0] =	wrdreg $0xFFFFFFFF;
	(pc) =	sbr.abs _section_cstart, $3  }
0xc1: {  	[dreg:$0x1] =	wrdreg $0xFFFFFFFF  }
0xc2: {  	_ =	task.clear_ibuf [dreg:s8], $0x2FFFF;
	_ =	strace $0x9FFFFFFF  }
0xc3: {  	(tm) =	ssettm $0x7FFFFFFF  }
tec
execute0_lowered:
.L_overlay_start_1:
0x0: {  	(tag) =	ssettag $0x1  }
0x1: {  	s5 =	rddreg [dreg:$0x0]  }
0x2: {  	s2 =	rddreg [dreg:$0x1]  }
0x3: {  	s0 =	rddreg [dreg:$0x2];
	s4 =	srdreg.scid  }
0x4: {  	s3 =	simm.s32 $0x0;
	s1 =	stileid.u32;
	s9 =	simm.s32 $0x1000  }
0x5: {  	s10 =	simm.s32 $0x20000;
	s11 =	simm.s32 $0x2;
	s12 =	simm.s32 $0x4000  }
0x6: {  	v0 =	vimm.s32 $0x0;
	v1 =	vlaneseq.u32;
	v2 =	vimm.s32 $0x1;
	s13 =	simm.s32 $0x400;
	s14 =	simm.s32 $0xA400;
	s15 =	simm.s32 $0x1  }
0x7: {  	s16 =	simm.s32 $0x0;
	s4 =	sand.u32 $0x1, s4;
	s7 =	sshll.u32 s1, $0xA;
	v3 =	vor.u32 $0x10, v1;
	v4 =	vor.u32 $0x20, v1;
	v5 =	vor.u32 $0x30, v1  }
0x8: {  	[smem:$0x7FF] =	sst s3;
	v6 =	vor.u32 $0x40, v1;
	v7 =	vor.u32 $0x50, v1;
	v8 =	vor.u32 $0x60, v1;
	s6 =	ssub.s32 $0x2, s4;
	s4 =	sshll.u32 s4, $0x9  }
0x9: {  	v9 =	vor.u32 $0x70, v1;
	v10 =	vor.u32 $0x3200, v1;
	v11 =	vor.u32 $0x3210, v1;
	_ =	strace $0x80000047;
	s8 =	sshrl.u32 s6, $0x1;
	s7 =	sor.u32 s4, s7  }
0xa: {  	v12 =	vor.u32 $0x3220, v1;
	v13 =	vor.u32 $0x3230, v1;
	v14 =	vor.u32 $0x3240, v1;
	s8 =	ssub.s32 s6, s8;
	s4 =	sadd.s32 s2, s7;
	s5 =	sadd.s32 s5, s7  }
0xb: {  	v15 =	vor.u32 $0x3250, v1;
	v16 =	vor.u32 $0x3260, v1;
	v17 =	vor.u32 $0x3270, v1;
	s7 =	sshrl.u32 s7, $0x7;
	s6 =	sadd.s32 $0x64000, s4;
	s8 =	smax.u32 s8, $0x1  }
.LBB2_1:
0xc: {  	[tilespmem:s3], [sflag:$0x2] =	stream.strided.gather [hbm4b:s5+s9], $0x4000, s10, s9, $0x38;
	[tilespmem:$0x10800] =	vst v63  }
0xd: {  	s17 =	simm.s32 $0x0;
	s18 =	simm.s32 $0x200  }
.LBB2_2:
0xe: {  	p0 =	sne.s32 s18, $0x18E00;
	[tilespmem:s17+$0x4070] =	vst v0  }
0xf: {  	[tilespmem:s17+$0x4000] =	vst v0  }
0x10: {  	[tilespmem:s17+$0x4010] =	vst v0  }
.Ltmp0:
0x11: {  	[tilespmem:s17+$0x4020] =	vst v0;
	(pc) =	sbr.rel @p0 .LBB2_2-.Ltmp0, $4  }
0x12: {  	[tilespmem:s17+$0x4030] =	vst v0  }
0x13: {  	[tilespmem:s17+$0x4040] =	vst v0  }
0x14: {  	[tilespmem:s17+$0x4050] =	vst v0  }
0x15: {  	[tilespmem:s17+$0x4060] =	vst v0;
	s17 =	sshra.s32 s18, $0x2;
	s18 =	sadd.s32 $0x200, s18  }
0x16: {  	[tilespmem:s17+$0x4070] =	vst v0  }
0x17: {  	[tilespmem:s17+$0x4000] =	vst v0  }
0x18: {  	[tilespmem:s17+$0x4010] =	vst v0  }
0x19: {  	[tilespmem:s17+$0x4020] =	vst v0  }
0x1a: {  	[tilespmem:s17+$0x4030] =	vst v0  }
0x1b: {  	[tilespmem:s17+$0x4040] =	vst v0  }
0x1c: {  	[tilespmem:s17+$0x4050] =	vst v0  }
0x1d: {  	[tilespmem:s17+$0x4060] =	vst v0  }
0x1e: {  	_ =	swait.ge [sflag:s11], $0x4000  }
0x1f: {  	[sflag:s11] =	ssyncset.done $0x0  }
0x20: {  	[sflag:s11] =	ssyncadd.s32 $0xFFFFC000  }
0x21: {  	v18 =	vld [tilespmem:$0x0];
	_ =	sdelay $0x4  }
0x22: {  	v18 =	vshll.u32 v18, $0x7  }
0x23: {  	v18 =	vor.u32 v1, v18;
	_ =	sdelay $0x4  }
0x24: {  	[tilespmem:v18+s12+$0x0] =	vst.idx.msk $0xffff, v2  }
0x25: {  	v18 =	vld [tilespmem:$0x10];
	_ =	sdelay $0x4  }
0x26: {  	v18 =	vshll.u32 v18, $0x7  }
0x27: {  	v18 =	vor.u32 v3, v18;
	_ =	sdelay $0x4  }
0x28: {  	[tilespmem:v18+s12+$0x0] =	vst.idx.msk $0xffff, v2  }
0x29: {  	v18 =	vld [tilespmem:$0x20];
	_ =	sdelay $0x4  }
0x2a: {  	v18 =	vshll.u32 v18, $0x7  }
0x2b: {  	v18 =	vor.u32 v4, v18;
	_ =	sdelay $0x4  }
0x2c: {  	[tilespmem:v18+s12+$0x0] =	vst.idx.msk $0xffff, v2  }
0x2d: {  	v18 =	vld [tilespmem:$0x30];
	_ =	sdelay $0x4  }
0x2e: {  	v18 =	vshll.u32 v18, $0x7  }
0x2f: {  	v18 =	vor.u32 v5, v18;
	_ =	sdelay $0x4  }
0x30: {  	[tilespmem:v18+s12+$0x0] =	vst.idx.msk $0xffff, v2  }
0x31: {  	v18 =	vld [tilespmem:$0x40];
	_ =	sdelay $0x4  }
0x32: {  	v18 =	vshll.u32 v18, $0x7  }
0x33: {  	v18 =	vor.u32 v6, v18;
	_ =	sdelay $0x4  }
0x34: {  	[tilespmem:v18+s12+$0x0] =	vst.idx.msk $0xffff, v2  }
0x35: {  	v18 =	vld [tilespmem:$0x50];
	_ =	sdelay $0x4  }
0x36: {  	v18 =	vshll.u32 v18, $0x7  }
0x37: {  	v18 =	vor.u32 v7, v18;
	_ =	sdelay $0x4  }
0x38: {  	[tilespmem:v18+s12+$0x0] =	vst.idx.msk $0xffff, v2  }
0x39: {  	v18 =	vld [tilespmem:$0x60];
	_ =	sdelay $0x4  }
0x3a: {  	v18 =	vshll.u32 v18, $0x7  }
0x3b: {  	v18 =	vor.u32 v8, v18;
	_ =	sdelay $0x4  }
0x3c: {  	[tilespmem:v18+s12+$0x0] =	vst.idx.msk $0xffff, v2  }
0x3d: {  	v18 =	vld [tilespmem:$0x70];
	_ =	sdelay $0x4  }
0x3e: {  	v18 =	vshll.u32 v18, $0x7  }
0x3f: {  	v18 =	vor.u32 v9, v18;
	_ =	sdelay $0x4  }
0x40: {  	[tilespmem:v18+s12+$0x0] =	vst.idx.msk $0xffff, v2  }
0x41: {  	v18 =	vld [tilespmem:$0x80];
	_ =	sdelay $0x4  }
0x42: {  	v18 =	vshll.u32 v18, $0x7  }
0x43: {  	v18 =	vadd.s32 v10, v18;
	_ =	sdelay $0x4  }
0x44: {  	[tilespmem:v18+s12+$0x0] =	vst.idx.msk $0xffff, v2  }
0x45: {  	v18 =	vld [tilespmem:$0x90];
	_ =	sdelay $0x4  }
0x46: {  	v18 =	vshll.u32 v18, $0x7  }
0x47: {  	v18 =	vadd.s32 v11, v18;
	_ =	sdelay $0x4  }
0x48: {  	[tilespmem:v18+s12+$0x0] =	vst.idx.msk $0xffff, v2  }
0x49: {  	v18 =	vld [tilespmem:$0xA0];
	_ =	sdelay $0x4  }
0x4a: {  	v18 =	vshll.u32 v18, $0x7  }
0x4b: {  	v18 =	vadd.s32 v12, v18;
	_ =	sdelay $0x4  }
0x4c: {  	[tilespmem:v18+s12+$0x0] =	vst.idx.msk $0xffff, v2  }
0x4d: {  	v18 =	vld [tilespmem:$0xB0];
	_ =	sdelay $0x4  }
0x4e: {  	v18 =	vshll.u32 v18, $0x7  }
0x4f: {  	v18 =	vadd.s32 v13, v18;
	_ =	sdelay $0x4  }
0x50: {  	[tilespmem:v18+s12+$0x0] =	vst.idx.msk $0xffff, v2  }
0x51: {  	v18 =	vld [tilespmem:$0xC0];
	_ =	sdelay $0x4  }
0x52: {  	v18 =	vshll.u32 v18, $0x7  }
0x53: {  	v18 =	vadd.s32 v14, v18;
	_ =	sdelay $0x4  }
0x54: {  	[tilespmem:v18+s12+$0x0] =	vst.idx.msk $0xffff, v2  }
0x55: {  	v18 =	vld [tilespmem:$0xD0];
	_ =	sdelay $0x4  }
0x56: {  	v18 =	vshll.u32 v18, $0x7  }
0x57: {  	v18 =	vadd.s32 v15, v18;
	_ =	sdelay $0x4  }
0x58: {  	[tilespmem:v18+s12+$0x0] =	vst.idx.msk $0xffff, v2  }
0x59: {  	v18 =	vld [tilespmem:$0xE0];
	_ =	sdelay $0x4  }
0x5a: {  	v18 =	vshll.u32 v18, $0x7  }
0x5b: {  	v18 =	vadd.s32 v16, v18;
	_ =	sdelay $0x4  }
0x5c: {  	[tilespmem:v18+s12+$0x0] =	vst.idx.msk $0xffff, v2  }
0x5d: {  	v18 =	vld [tilespmem:$0xF0];
	_ =	sdelay $0x4  }
0x5e: {  	v18 =	vshll.u32 v18, $0x7  }
0x5f: {  	v18 =	vadd.s32 v17, v18;
	_ =	sdelay $0x4  }
0x60: {  	s17 =	simm.s32 $0x0;
	s18 =	simm.s32 $0x200;
	[tilespmem:v18+s12+$0x0] =	vst.idx.msk $0xffff, v2  }
0x61: {  	[hbm4b:s4+s13] =	stream.strided.scatter [tilespmem:s12], [sflag:$0x1], $0x6400, s10, s13, $0x38;
	[tilespmem:$0x10800] =	vst v63  }
.LBB2_4:
0x62: {  	p0 =	sne.s32 s18, $0x18E00;
	[tilespmem:s17+$0xA470] =	vst v0  }
0x63: {  	[tilespmem:s17+$0xA400] =	vst v0  }
0x64: {  	[tilespmem:s17+$0xA410] =	vst v0  }
.Ltmp1:
0x65: {  	[tilespmem:s17+$0xA420] =	vst v0;
	(pc) =	sbr.rel @p0 .LBB2_4-.Ltmp1, $4  }
0x66: {  	[tilespmem:s17+$0xA430] =	vst v0  }
0x67: {  	[tilespmem:s17+$0xA440] =	vst v0  }
0x68: {  	[tilespmem:s17+$0xA450] =	vst v0  }
0x69: {  	[tilespmem:s17+$0xA460] =	vst v0;
	s17 =	sshra.s32 s18, $0x2;
	s18 =	sadd.s32 $0x200, s18  }
0x6a: {  	[tilespmem:s17+$0xA470] =	vst v0  }
0x6b: {  	[tilespmem:s17+$0xA400] =	vst v0  }
0x6c: {  	[tilespmem:s17+$0xA410] =	vst v0  }
0x6d: {  	[tilespmem:s17+$0xA420] =	vst v0  }
0x6e: {  	[tilespmem:s17+$0xA430] =	vst v0  }
0x6f: {  	[tilespmem:s17+$0xA440] =	vst v0  }
0x70: {  	[tilespmem:s17+$0xA450] =	vst v0  }
0x71: {  	[tilespmem:s17+$0xA460] =	vst v0  }
0x72: {  	v18 =	vld [tilespmem:$0x100];
	_ =	sdelay $0x4  }
0x73: {  	v18 =	vshll.u32 v18, $0x7  }
0x74: {  	v18 =	vor.u32 v1, v18;
	_ =	sdelay $0x4  }
0x75: {  	[tilespmem:v18+s14+$0x0] =	vst.idx.msk $0xffff, v2  }
0x76: {  	v18 =	vld [tilespmem:$0x110];
	_ =	sdelay $0x4  }
0x77: {  	v18 =	vshll.u32 v18, $0x7  }
0x78: {  	v18 =	vor.u32 v3, v18;
	_ =	sdelay $0x4  }
0x79: {  	[tilespmem:v18+s14+$0x0] =	vst.idx.msk $0xffff, v2  }
0x7a: {  	v18 =	vld [tilespmem:$0x120];
	_ =	sdelay $0x4  }
0x7b: {  	v18 =	vshll.u32 v18, $0x7  }
0x7c: {  	v18 =	vor.u32 v4, v18;
	_ =	sdelay $0x4  }
0x7d: {  	[tilespmem:v18+s14+$0x0] =	vst.idx.msk $0xffff, v2  }
0x7e: {  	v18 =	vld [tilespmem:$0x130];
	_ =	sdelay $0x4  }
0x7f: {  	v18 =	vshll.u32 v18, $0x7  }
0x80: {  	v18 =	vor.u32 v5, v18;
	_ =	sdelay $0x4  }
0x81: {  	[tilespmem:v18+s14+$0x0] =	vst.idx.msk $0xffff, v2  }
0x82: {  	v18 =	vld [tilespmem:$0x140];
	_ =	sdelay $0x4  }
0x83: {  	v18 =	vshll.u32 v18, $0x7  }
0x84: {  	v18 =	vor.u32 v6, v18;
	_ =	sdelay $0x4  }
0x85: {  	[tilespmem:v18+s14+$0x0] =	vst.idx.msk $0xffff, v2  }
0x86: {  	v18 =	vld [tilespmem:$0x150];
	_ =	sdelay $0x4  }
0x87: {  	v18 =	vshll.u32 v18, $0x7  }
0x88: {  	v18 =	vor.u32 v7, v18;
	_ =	sdelay $0x4  }
0x89: {  	[tilespmem:v18+s14+$0x0] =	vst.idx.msk $0xffff, v2  }
0x8a: {  	v18 =	vld [tilespmem:$0x160];
	_ =	sdelay $0x4  }
0x8b: {  	v18 =	vshll.u32 v18, $0x7  }
0x8c: {  	v18 =	vor.u32 v8, v18;
	_ =	sdelay $0x4  }
0x8d: {  	[tilespmem:v18+s14+$0x0] =	vst.idx.msk $0xffff, v2  }
0x8e: {  	v18 =	vld [tilespmem:$0x170];
	_ =	sdelay $0x4  }
0x8f: {  	v18 =	vshll.u32 v18, $0x7  }
0x90: {  	v18 =	vor.u32 v9, v18;
	_ =	sdelay $0x4  }
0x91: {  	[tilespmem:v18+s14+$0x0] =	vst.idx.msk $0xffff, v2  }
0x92: {  	v18 =	vld [tilespmem:$0x180];
	_ =	sdelay $0x4  }
0x93: {  	v18 =	vshll.u32 v18, $0x7  }
0x94: {  	v18 =	vadd.s32 v10, v18;
	_ =	sdelay $0x4  }
0x95: {  	[tilespmem:v18+s14+$0x0] =	vst.idx.msk $0xffff, v2  }
0x96: {  	v18 =	vld [tilespmem:$0x190];
	_ =	sdelay $0x4  }
0x97: {  	v18 =	vshll.u32 v18, $0x7  }
0x98: {  	v18 =	vadd.s32 v11, v18;
	_ =	sdelay $0x4  }
0x99: {  	[tilespmem:v18+s14+$0x0] =	vst.idx.msk $0xffff, v2  }
0x9a: {  	v18 =	vld [tilespmem:$0x1A0];
	_ =	sdelay $0x4  }
0x9b: {  	v18 =	vshll.u32 v18, $0x7  }
0x9c: {  	v18 =	vadd.s32 v12, v18;
	_ =	sdelay $0x4  }
0x9d: {  	[tilespmem:v18+s14+$0x0] =	vst.idx.msk $0xffff, v2  }
0x9e: {  	v18 =	vld [tilespmem:$0x1B0];
	_ =	sdelay $0x4  }
0x9f: {  	v18 =	vshll.u32 v18, $0x7  }
0xa0: {  	v18 =	vadd.s32 v13, v18;
	_ =	sdelay $0x4  }
0xa1: {  	[tilespmem:v18+s14+$0x0] =	vst.idx.msk $0xffff, v2  }
0xa2: {  	v18 =	vld [tilespmem:$0x1C0];
	_ =	sdelay $0x4  }
0xa3: {  	v18 =	vshll.u32 v18, $0x7  }
0xa4: {  	v18 =	vadd.s32 v14, v18;
	_ =	sdelay $0x4  }
0xa5: {  	[tilespmem:v18+s14+$0x0] =	vst.idx.msk $0xffff, v2  }
0xa6: {  	v18 =	vld [tilespmem:$0x1D0];
	_ =	sdelay $0x4  }
0xa7: {  	v18 =	vshll.u32 v18, $0x7  }
0xa8: {  	v18 =	vadd.s32 v15, v18;
	_ =	sdelay $0x4  }
0xa9: {  	[tilespmem:v18+s14+$0x0] =	vst.idx.msk $0xffff, v2  }
0xaa: {  	v18 =	vld [tilespmem:$0x1E0];
	_ =	sdelay $0x4  }
0xab: {  	v18 =	vshll.u32 v18, $0x7  }
0xac: {  	v18 =	vadd.s32 v16, v18;
	_ =	sdelay $0x4  }
0xad: {  	[tilespmem:v18+s14+$0x0] =	vst.idx.msk $0xffff, v2  }
0xae: {  	v18 =	vld [tilespmem:$0x1F0];
	_ =	sdelay $0x4  }
0xaf: {  	v18 =	vshll.u32 v18, $0x7  }
0xb0: {  	v18 =	vadd.s32 v17, v18;
	_ =	sdelay $0x4  }
0xb1: {  	s17 =	simm.s32 $0x1;
	[tilespmem:v18+s14+$0x0] =	vst.idx.msk $0xffff, v2  }
0xb2: {  	[hbm4b:s6+s13] =	stream.strided.scatter [tilespmem:s14], [sflag:$0x2], $0x6400, s10, s13, $0x38;
	[tilespmem:$0x10800] =	vst v63  }
.LBB2_6:
0xb3: {  	s18 =	sshll.u32 s17, $0x1  }
0xb4: {  	s19 =	sadd.s32 $0xFFFFFFFE, s18  }
0xb5: {  	s20 =	sshll.u32 s19, $0x18  }
0xb6: {  	s20 =	sshra.s32 s20, $0x18  }
0xb7: {  	s20 =	smul.u32 $0x4F, s20;
	_ =	sdelay $0x1  }
0xb8: {  	s21 =	sshrl.u32 s20, $0x1F;
	s20 =	sshra.s32 s20, $0xA  }
0xb9: {  	s20 =	sadd.s32 s21, s20  }
0xba: {  	s21 =	smul.u32 $0xFFFFFFF3, s20;
	_ =	sdelay $0x1  }
0xbb: {  	s19 =	sadd.s32 s19, s21  }
0xbc: {  	s21 =	sand.u32 $0xFF, s19  }
0xbd: {  	p0 =	slt.u32 s17, $0x2;
	s19 =	sshll.u32 s19, $0x18;
	p1 =	sne.s32 s21, $0x0  }
0xbe: {  	s19 =	sshra.s32 s19, $0x18;
	p0 =	por !p0, !p1  }
0xbf: {  	s21 =	simm.s32 $0x1;
	s22 =	sshll.u32 s19, $0x1;
	p0 =	por !p0, !p0  }
0xc0: {  	s21 =	simm.s32 @!p0 $0x0;
	p0 =	slt.s32 s19, $0x0;
	s19 =	sadd.s32 $0x1A, s22  }
0xc1: {  	s20 =	ssub.s32 s20, s21;
	s22 =	smov.u32 @p0 s19  }
0xc2: {  	_ =	swait.ge [sflag:s15], $0x6400;
	s19 =	sshll.u32 s22, $0x9;
	s20 =	sshll.u32 s20, $0xC  }
0xc3: {  	s26 =	sshll.u32 s22, $0x7;
	s19 =	sand.u32 $0xFFFFF000, s19;
	s20 =	sshra.s32 s20, $0x2  }
0xc4: {  	[sflag:s15] =	ssyncset.done $0x0;
	s21 =	sand.u32 $0x300, s26;
	s19 =	sadd.s32 s20, s19  }
0xc5: {  	[sflag:s15] =	ssyncadd.s32 $0xFFFF9C00;
	s19 =	sor.u32 s21, s19  }
0xc6: {  	v18 =	vld [tilespmem:s19+$0x0];
	_ =	sdelay $0x4  }
0xc7: {  	v18 =	vshll.u32 v18, $0x7  }
0xc8: {  	v18 =	vor.u32 v1, v18;
	_ =	sdelay $0x4  }
0xc9: {  	[tilespmem:v18+s12+$0x0] =	vst.idx.msk $0xffff, v0  }
0xca: {  	v18 =	vld [tilespmem:s19+$0x10];
	_ =	sdelay $0x4  }
0xcb: {  	v18 =	vshll.u32 v18, $0x7  }
0xcc: {  	v18 =	vor.u32 v3, v18;
	_ =	sdelay $0x4  }
0xcd: {  	[tilespmem:v18+s12+$0x0] =	vst.idx.msk $0xffff, v0  }
0xce: {  	v18 =	vld [tilespmem:s19+$0x20];
	_ =	sdelay $0x4  }
0xcf: {  	v18 =	vshll.u32 v18, $0x7  }
0xd0: {  	v18 =	vor.u32 v4, v18;
	_ =	sdelay $0x4  }
0xd1: {  	[tilespmem:v18+s12+$0x0] =	vst.idx.msk $0xffff, v0  }
0xd2: {  	v18 =	vld [tilespmem:s19+$0x30];
	_ =	sdelay $0x4  }
0xd3: {  	v18 =	vshll.u32 v18, $0x7  }
0xd4: {  	v18 =	vor.u32 v5, v18;
	_ =	sdelay $0x4  }
0xd5: {  	[tilespmem:v18+s12+$0x0] =	vst.idx.msk $0xffff, v0  }
0xd6: {  	v18 =	vld [tilespmem:s19+$0x40];
	_ =	sdelay $0x4  }
0xd7: {  	v18 =	vshll.u32 v18, $0x7  }
0xd8: {  	v18 =	vor.u32 v6, v18;
	_ =	sdelay $0x4  }
0xd9: {  	[tilespmem:v18+s12+$0x0] =	vst.idx.msk $0xffff, v0  }
0xda: {  	v18 =	vld [tilespmem:s19+$0x50];
	_ =	sdelay $0x4  }
0xdb: {  	v18 =	vshll.u32 v18, $0x7  }
0xdc: {  	v18 =	vor.u32 v7, v18;
	_ =	sdelay $0x4  }
0xdd: {  	[tilespmem:v18+s12+$0x0] =	vst.idx.msk $0xffff, v0  }
0xde: {  	v18 =	vld [tilespmem:s19+$0x60];
	_ =	sdelay $0x4  }
0xdf: {  	v18 =	vshll.u32 v18, $0x7  }
0xe0: {  	v18 =	vor.u32 v8, v18;
	_ =	sdelay $0x4  }
0xe1: {  	[tilespmem:v18+s12+$0x0] =	vst.idx.msk $0xffff, v0  }
0xe2: {  	v18 =	vld [tilespmem:s19+$0x70];
	_ =	sdelay $0x4  }
0xe3: {  	v18 =	vshll.u32 v18, $0x7  }
0xe4: {  	v18 =	vor.u32 v9, v18;
	_ =	sdelay $0x4  }
0xe5: {  	[tilespmem:v18+s12+$0x0] =	vst.idx.msk $0xffff, v0  }
0xe6: {  	v18 =	vld [tilespmem:s19+$0x80];
	_ =	sdelay $0x4  }
0xe7: {  	v18 =	vshll.u32 v18, $0x7  }
0xe8: {  	v18 =	vadd.s32 v10, v18;
	_ =	sdelay $0x4  }
0xe9: {  	[tilespmem:v18+s12+$0x0] =	vst.idx.msk $0xffff, v0  }
0xea: {  	v18 =	vld [tilespmem:s19+$0x90];
	_ =	sdelay $0x4  }
0xeb: {  	v18 =	vshll.u32 v18, $0x7  }
0xec: {  	v18 =	vadd.s32 v11, v18;
	_ =	sdelay $0x4  }
0xed: {  	[tilespmem:v18+s12+$0x0] =	vst.idx.msk $0xffff, v0  }
0xee: {  	v18 =	vld [tilespmem:s19+$0xA0];
	_ =	sdelay $0x4  }
0xef: {  	v18 =	vshll.u32 v18, $0x7  }
0xf0: {  	v18 =	vadd.s32 v12, v18;
	_ =	sdelay $0x4  }
0xf1: {  	[tilespmem:v18+s12+$0x0] =	vst.idx.msk $0xffff, v0  }
0xf2: {  	v18 =	vld [tilespmem:s19+$0xB0];
	_ =	sdelay $0x4  }
0xf3: {  	v18 =	vshll.u32 v18, $0x7  }
0xf4: {  	v18 =	vadd.s32 v13, v18;
	_ =	sdelay $0x4  }
0xf5: {  	[tilespmem:v18+s12+$0x0] =	vst.idx.msk $0xffff, v0  }
0xf6: {  	v18 =	vld [tilespmem:s19+$0xC0];
	_ =	sdelay $0x4  }
0xf7: {  	v18 =	vshll.u32 v18, $0x7  }
0xf8: {  	v18 =	vadd.s32 v14, v18;
	_ =	sdelay $0x4  }
0xf9: {  	[tilespmem:v18+s12+$0x0] =	vst.idx.msk $0xffff, v0  }
0xfa: {  	v18 =	vld [tilespmem:s19+$0xD0];
	_ =	sdelay $0x4  }
0xfb: {  	v18 =	vshll.u32 v18, $0x7  }
0xfc: {  	v18 =	vadd.s32 v15, v18;
	_ =	sdelay $0x4  }
0xfd: {  	[tilespmem:v18+s12+$0x0] =	vst.idx.msk $0xffff, v0  }
0xfe: {  	v18 =	vld [tilespmem:s19+$0xE0];
	_ =	sdelay $0x4  }
0xff: {  	v18 =	vshll.u32 v18, $0x7  }
0x100: {  	v18 =	vadd.s32 v16, v18;
	_ =	sdelay $0x4  }
0x101: {  	[tilespmem:v18+s12+$0x0] =	vst.idx.msk $0xffff, v0  }
0x102: {  	v18 =	vld [tilespmem:s19+$0xF0]  }
0x103: {  	s28 =	sand.u32 $0xFE, s18  }
0x104: {  	s29 =	smul.u32 $0x4F, s28;
	_ =	sdelay $0x1  }
0x105: {  	s19 =	sshrl.u32 s29, $0xA  }
0x106: {  	s30 =	smul.u32 $0xD, s19;
	v18 =	vshll.u32 v18, $0x7  }
0x107: {  	v18 =	vadd.s32 v17, v18  }
0x108: {  	s20 =	ssub.s32 s18, s30  }
0x109: {  	s31 =	sshll.u32 s20, $0xA  }
0x10a: {  	s21 =	sand.u32 $0x7C00, s29;
	s23 =	sshll.u32 s20, $0x8;
	s22 =	sand.u32 $0x3000, s31  }
0x10b: {  	s23 =	sand.u32 $0x300, s23;
	s21 =	sadd.s32 s21, s22  }
0x10c: {  	s21 =	sor.u32 s23, s21;
	[tilespmem:v18+s12+$0x0] =	vst.idx.msk $0xffff, v0  }
0x10d: {  	v18 =	vld [tilespmem:s21+$0x0];
	_ =	sdelay $0x4  }
0x10e: {  	v18 =	vshll.u32 v18, $0x7  }
0x10f: {  	v18 =	vor.u32 v1, v18;
	_ =	sdelay $0x4  }
0x110: {  	[tilespmem:v18+s12+$0x0] =	vst.idx.msk $0xffff, v2  }
0x111: {  	v18 =	vld [tilespmem:s21+$0x10];
	_ =	sdelay $0x4  }
0x112: {  	v18 =	vshll.u32 v18, $0x7  }
0x113: {  	v18 =	vor.u32 v3, v18;
	_ =	sdelay $0x4  }
0x114: {  	[tilespmem:v18+s12+$0x0] =	vst.idx.msk $0xffff, v2  }
0x115: {  	v18 =	vld [tilespmem:s21+$0x20];
	_ =	sdelay $0x4  }
0x116: {  	v18 =	vshll.u32 v18, $0x7  }
0x117: {  	v18 =	vor.u32 v4, v18;
	_ =	sdelay $0x4  }
0x118: {  	[tilespmem:v18+s12+$0x0] =	vst.idx.msk $0xffff, v2  }
0x119: {  	v18 =	vld [tilespmem:s21+$0x30];
	_ =	sdelay $0x4  }
0x11a: {  	v18 =	vshll.u32 v18, $0x7  }
0x11b: {  	v18 =	vor.u32 v5, v18;
	_ =	sdelay $0x4  }
0x11c: {  	[tilespmem:v18+s12+$0x0] =	vst.idx.msk $0xffff, v2  }
0x11d: {  	v18 =	vld [tilespmem:s21+$0x40];
	_ =	sdelay $0x4  }
0x11e: {  	v18 =	vshll.u32 v18, $0x7  }
0x11f: {  	v18 =	vor.u32 v6, v18;
	_ =	sdelay $0x4  }
0x120: {  	[tilespmem:v18+s12+$0x0] =	vst.idx.msk $0xffff, v2  }
0x121: {  	v18 =	vld [tilespmem:s21+$0x50];
	_ =	sdelay $0x4  }
0x122: {  	v18 =	vshll.u32 v18, $0x7  }
0x123: {  	v18 =	vor.u32 v7, v18;
	_ =	sdelay $0x4  }
0x124: {  	[tilespmem:v18+s12+$0x0] =	vst.idx.msk $0xffff, v2  }
0x125: {  	v18 =	vld [tilespmem:s21+$0x60];
	_ =	sdelay $0x4  }
0x126: {  	v18 =	vshll.u32 v18, $0x7  }
0x127: {  	v18 =	vor.u32 v8, v18;
	_ =	sdelay $0x4  }
0x128: {  	[tilespmem:v18+s12+$0x0] =	vst.idx.msk $0xffff, v2  }
0x129: {  	v18 =	vld [tilespmem:s21+$0x70];
	_ =	sdelay $0x4  }
0x12a: {  	v18 =	vshll.u32 v18, $0x7  }
0x12b: {  	v18 =	vor.u32 v9, v18;
	_ =	sdelay $0x4  }
0x12c: {  	[tilespmem:v18+s12+$0x0] =	vst.idx.msk $0xffff, v2  }
0x12d: {  	v18 =	vld [tilespmem:s21+$0x80];
	_ =	sdelay $0x4  }
0x12e: {  	v18 =	vshll.u32 v18, $0x7  }
0x12f: {  	v18 =	vadd.s32 v10, v18;
	_ =	sdelay $0x4  }
0x130: {  	[tilespmem:v18+s12+$0x0] =	vst.idx.msk $0xffff, v2  }
0x131: {  	v18 =	vld [tilespmem:s21+$0x90];
	_ =	sdelay $0x4  }
0x132: {  	v18 =	vshll.u32 v18, $0x7  }
0x133: {  	v18 =	vadd.s32 v11, v18;
	_ =	sdelay $0x4  }
0x134: {  	[tilespmem:v18+s12+$0x0] =	vst.idx.msk $0xffff, v2  }
0x135: {  	v18 =	vld [tilespmem:s21+$0xA0];
	_ =	sdelay $0x4  }
0x136: {  	v18 =	vshll.u32 v18, $0x7  }
0x137: {  	v18 =	vadd.s32 v12, v18;
	_ =	sdelay $0x4  }
0x138: {  	[tilespmem:v18+s12+$0x0] =	vst.idx.msk $0xffff, v2  }
0x139: {  	v18 =	vld [tilespmem:s21+$0xB0];
	_ =	sdelay $0x4  }
0x13a: {  	v18 =	vshll.u32 v18, $0x7  }
0x13b: {  	v18 =	vadd.s32 v13, v18;
	_ =	sdelay $0x4  }
0x13c: {  	[tilespmem:v18+s12+$0x0] =	vst.idx.msk $0xffff, v2  }
0x13d: {  	v18 =	vld [tilespmem:s21+$0xC0];
	_ =	sdelay $0x4  }
0x13e: {  	v18 =	vshll.u32 v18, $0x7  }
0x13f: {  	v18 =	vadd.s32 v14, v18;
	_ =	sdelay $0x4  }
0x140: {  	[tilespmem:v18+s12+$0x0] =	vst.idx.msk $0xffff, v2  }
0x141: {  	v18 =	vld [tilespmem:s21+$0xD0];
	_ =	sdelay $0x4  }
0x142: {  	v18 =	vshll.u32 v18, $0x7  }
0x143: {  	v18 =	vadd.s32 v15, v18;
	_ =	sdelay $0x4  }
0x144: {  	[tilespmem:v18+s12+$0x0] =	vst.idx.msk $0xffff, v2  }
0x145: {  	v18 =	vld [tilespmem:s21+$0xE0];
	_ =	sdelay $0x4  }
0x146: {  	v18 =	vshll.u32 v18, $0x7  }
0x147: {  	v18 =	vadd.s32 v16, v18;
	_ =	sdelay $0x4  }
0x148: {  	[tilespmem:v18+s12+$0x0] =	vst.idx.msk $0xffff, v2  }
0x149: {  	s18 =	sadd.s32 $0xFFFFFFFF, s18;
	v18 =	vld [tilespmem:s21+$0xF0]  }
0x14a: {  	s24 =	sshll.u32 s18, $0x18  }
0x14b: {  	s21 =	sshra.s32 s24, $0x18  }
0x14c: {  	s20 =	sand.u32 $0xFF, s20;
	s21 =	smul.u32 $0x4F, s21  }
0x14d: {  	s19 =	sadd.s32 s19, s7;
	s20 =	smul.u32 $0x320000, s20  }
0x14e: {  	s19 =	sshll.u32 s19, $0xA;
	s25 =	sshrl.u32 s21, $0x1F;
	s21 =	sshra.s32 s21, $0xA;
	v18 =	vshll.u32 v18, $0x7  }
0x14f: {  	s19 =	sadd.s32 s20, s19;
	s20 =	sadd.s32 s25, s21;
	v18 =	vadd.s32 v17, v18  }
0x150: {  	s21 =	smul.u32 $0xFFFFFFF3, s20;
	_ =	sdelay $0x1  }
0x151: {  	s18 =	sadd.s32 s18, s21  }
0x152: {  	s19 =	sshrl.u32 s19, $0x3;
	s18 =	sshll.u32 s18, $0x18  }
0x153: {  	s19 =	sadd.s32 s2, s19;
	s18 =	sshra.s32 s18, $0x18;
	[tilespmem:v18+s12+$0x0] =	vst.idx.msk $0xffff, v2  }
0x154: {  	[hbm4b:s19+s13] =	stream.strided.scatter [tilespmem:s12], [sflag:$0x1], $0x6400, s10, s13, $0x38;
	[tilespmem:$0x10800] =	vst v63  }
0x155: {  	s19 =	sshll.u32 s18, $0x1  }
0x156: {  	p0 =	slt.s32 s18, $0x0;
	s18 =	sadd.s32 $0x1A, s19  }
0x157: {  	s20 =	sshll.u32 s20, $0xC;
	s19 =	smov.u32 @p0 s18  }
0x158: {  	s20 =	sshra.s32 s20, $0x2;
	s18 =	sshll.u32 s19, $0x9  }
0x159: {  	_ =	swait.ge [sflag:s11], $0x6400;
	s19 =	sshll.u32 s19, $0x7;
	s18 =	sand.u32 $0xFFFFF000, s18  }
0x15a: {  	[sflag:s11] =	ssyncset.done $0x0;
	s19 =	sand.u32 $0x300, s19;
	s18 =	sadd.s32 s20, s18  }
0x15b: {  	[sflag:s11] =	ssyncadd.s32 $0xFFFF9C00;
	s18 =	sor.u32 s19, s18  }
0x15c: {  	v18 =	vld [tilespmem:s18+$0x0];
	_ =	sdelay $0x4  }
0x15d: {  	v18 =	vshll.u32 v18, $0x7  }
0x15e: {  	v18 =	vor.u32 v1, v18;
	_ =	sdelay $0x4  }
0x15f: {  	[tilespmem:v18+s14+$0x0] =	vst.idx.msk $0xffff, v0  }
0x160: {  	v18 =	vld [tilespmem:s18+$0x10];
	_ =	sdelay $0x4  }
0x161: {  	v18 =	vshll.u32 v18, $0x7  }
0x162: {  	v18 =	vor.u32 v3, v18;
	_ =	sdelay $0x4  }
0x163: {  	[tilespmem:v18+s14+$0x0] =	vst.idx.msk $0xffff, v0  }
0x164: {  	v18 =	vld [tilespmem:s18+$0x20];
	_ =	sdelay $0x4  }
0x165: {  	v18 =	vshll.u32 v18, $0x7  }
0x166: {  	v18 =	vor.u32 v4, v18;
	_ =	sdelay $0x4  }
0x167: {  	[tilespmem:v18+s14+$0x0] =	vst.idx.msk $0xffff, v0  }
0x168: {  	v18 =	vld [tilespmem:s18+$0x30];
	_ =	sdelay $0x4  }
0x169: {  	v18 =	vshll.u32 v18, $0x7  }
0x16a: {  	v18 =	vor.u32 v5, v18;
	_ =	sdelay $0x4  }
0x16b: {  	[tilespmem:v18+s14+$0x0] =	vst.idx.msk $0xffff, v0  }
0x16c: {  	v18 =	vld [tilespmem:s18+$0x40];
	_ =	sdelay $0x4  }
0x16d: {  	v18 =	vshll.u32 v18, $0x7  }
0x16e: {  	v18 =	vor.u32 v6, v18;
	_ =	sdelay $0x4  }
0x16f: {  	[tilespmem:v18+s14+$0x0] =	vst.idx.msk $0xffff, v0  }
0x170: {  	v18 =	vld [tilespmem:s18+$0x50];
	_ =	sdelay $0x4  }
0x171: {  	v18 =	vshll.u32 v18, $0x7  }
0x172: {  	v18 =	vor.u32 v7, v18;
	_ =	sdelay $0x4  }
0x173: {  	[tilespmem:v18+s14+$0x0] =	vst.idx.msk $0xffff, v0  }
0x174: {  	v18 =	vld [tilespmem:s18+$0x60];
	_ =	sdelay $0x4  }
0x175: {  	v18 =	vshll.u32 v18, $0x7  }
0x176: {  	v18 =	vor.u32 v8, v18;
	_ =	sdelay $0x4  }
0x177: {  	[tilespmem:v18+s14+$0x0] =	vst.idx.msk $0xffff, v0  }
0x178: {  	v18 =	vld [tilespmem:s18+$0x70];
	_ =	sdelay $0x4  }
0x179: {  	v18 =	vshll.u32 v18, $0x7  }
0x17a: {  	v18 =	vor.u32 v9, v18;
	_ =	sdelay $0x4  }
0x17b: {  	[tilespmem:v18+s14+$0x0] =	vst.idx.msk $0xffff, v0  }
0x17c: {  	v18 =	vld [tilespmem:s18+$0x80];
	_ =	sdelay $0x4  }
0x17d: {  	v18 =	vshll.u32 v18, $0x7  }
0x17e: {  	v18 =	vadd.s32 v10, v18;
	_ =	sdelay $0x4  }
0x17f: {  	[tilespmem:v18+s14+$0x0] =	vst.idx.msk $0xffff, v0  }
0x180: {  	v18 =	vld [tilespmem:s18+$0x90];
	_ =	sdelay $0x4  }
0x181: {  	v18 =	vshll.u32 v18, $0x7  }
0x182: {  	v18 =	vadd.s32 v11, v18;
	_ =	sdelay $0x4  }
0x183: {  	[tilespmem:v18+s14+$0x0] =	vst.idx.msk $0xffff, v0  }
0x184: {  	v18 =	vld [tilespmem:s18+$0xA0];
	_ =	sdelay $0x4  }
0x185: {  	v18 =	vshll.u32 v18, $0x7  }
0x186: {  	v18 =	vadd.s32 v12, v18;
	_ =	sdelay $0x4  }
0x187: {  	[tilespmem:v18+s14+$0x0] =	vst.idx.msk $0xffff, v0  }
0x188: {  	v18 =	vld [tilespmem:s18+$0xB0];
	_ =	sdelay $0x4  }
0x189: {  	v18 =	vshll.u32 v18, $0x7  }
0x18a: {  	v18 =	vadd.s32 v13, v18;
	_ =	sdelay $0x4  }
0x18b: {  	[tilespmem:v18+s14+$0x0] =	vst.idx.msk $0xffff, v0  }
0x18c: {  	v18 =	vld [tilespmem:s18+$0xC0];
	_ =	sdelay $0x4  }
0x18d: {  	v18 =	vshll.u32 v18, $0x7  }
0x18e: {  	v18 =	vadd.s32 v14, v18;
	_ =	sdelay $0x4  }
0x18f: {  	[tilespmem:v18+s14+$0x0] =	vst.idx.msk $0xffff, v0  }
0x190: {  	v18 =	vld [tilespmem:s18+$0xD0];
	_ =	sdelay $0x4  }
0x191: {  	v18 =	vshll.u32 v18, $0x7  }
0x192: {  	v18 =	vadd.s32 v15, v18;
	_ =	sdelay $0x4  }
0x193: {  	[tilespmem:v18+s14+$0x0] =	vst.idx.msk $0xffff, v0  }
0x194: {  	v18 =	vld [tilespmem:s18+$0xE0];
	_ =	sdelay $0x4  }
0x195: {  	v18 =	vshll.u32 v18, $0x7  }
0x196: {  	v18 =	vadd.s32 v16, v18;
	_ =	sdelay $0x4  }
0x197: {  	[tilespmem:v18+s14+$0x0] =	vst.idx.msk $0xffff, v0  }
0x198: {  	s26 =	sshllo.u32 s17, $0x1;
	v18 =	vld [tilespmem:s18+$0xF0]  }
0x199: {  	s28 =	sand.u32 $0xFF, s26  }
0x19a: {  	s29 =	smul.u32 $0x4F, s28;
	_ =	sdelay $0x1  }
0x19b: {  	s18 =	sshrl.u32 s29, $0xA  }
0x19c: {  	s30 =	smul.u32 $0xD, s18;
	v18 =	vshll.u32 v18, $0x7  }
0x19d: {  	v18 =	vadd.s32 v17, v18  }
0x19e: {  	s19 =	ssub.s32 s26, s30  }
0x19f: {  	s21 =	sshll.u32 s19, $0xA  }
0x1a0: {  	s20 =	sand.u32 $0x7C00, s29;
	s31 =	sshll.u32 s19, $0x8;
	s21 =	sand.u32 $0x3000, s21  }
0x1a1: {  	s22 =	sand.u32 $0x300, s31;
	s20 =	sadd.s32 s20, s21  }
0x1a2: {  	s20 =	sor.u32 s22, s20;
	[tilespmem:v18+s14+$0x0] =	vst.idx.msk $0xffff, v0  }
0x1a3: {  	v18 =	vld [tilespmem:s20+$0x0];
	_ =	sdelay $0x4  }
0x1a4: {  	v18 =	vshll.u32 v18, $0x7  }
0x1a5: {  	v18 =	vor.u32 v1, v18;
	_ =	sdelay $0x4  }
0x1a6: {  	[tilespmem:v18+s14+$0x0] =	vst.idx.msk $0xffff, v2  }
0x1a7: {  	v18 =	vld [tilespmem:s20+$0x10];
	_ =	sdelay $0x4  }
0x1a8: {  	v18 =	vshll.u32 v18, $0x7  }
0x1a9: {  	v18 =	vor.u32 v3, v18;
	_ =	sdelay $0x4  }
0x1aa: {  	[tilespmem:v18+s14+$0x0] =	vst.idx.msk $0xffff, v2  }
0x1ab: {  	v18 =	vld [tilespmem:s20+$0x20];
	_ =	sdelay $0x4  }
0x1ac: {  	v18 =	vshll.u32 v18, $0x7  }
0x1ad: {  	v18 =	vor.u32 v4, v18;
	_ =	sdelay $0x4  }
0x1ae: {  	[tilespmem:v18+s14+$0x0] =	vst.idx.msk $0xffff, v2  }
0x1af: {  	v18 =	vld [tilespmem:s20+$0x30];
	_ =	sdelay $0x4  }
0x1b0: {  	v18 =	vshll.u32 v18, $0x7  }
0x1b1: {  	v18 =	vor.u32 v5, v18;
	_ =	sdelay $0x4  }
0x1b2: {  	[tilespmem:v18+s14+$0x0] =	vst.idx.msk $0xffff, v2  }
0x1b3: {  	v18 =	vld [tilespmem:s20+$0x40];
	_ =	sdelay $0x4  }
0x1b4: {  	v18 =	vshll.u32 v18, $0x7  }
0x1b5: {  	v18 =	vor.u32 v6, v18;
	_ =	sdelay $0x4  }
0x1b6: {  	[tilespmem:v18+s14+$0x0] =	vst.idx.msk $0xffff, v2  }
0x1b7: {  	v18 =	vld [tilespmem:s20+$0x50];
	_ =	sdelay $0x4  }
0x1b8: {  	v18 =	vshll.u32 v18, $0x7  }
0x1b9: {  	v18 =	vor.u32 v7, v18;
	_ =	sdelay $0x4  }
0x1ba: {  	[tilespmem:v18+s14+$0x0] =	vst.idx.msk $0xffff, v2  }
0x1bb: {  	v18 =	vld [tilespmem:s20+$0x60];
	_ =	sdelay $0x4  }
0x1bc: {  	v18 =	vshll.u32 v18, $0x7  }
0x1bd: {  	v18 =	vor.u32 v8, v18;
	_ =	sdelay $0x4  }
0x1be: {  	[tilespmem:v18+s14+$0x0] =	vst.idx.msk $0xffff, v2  }
0x1bf: {  	v18 =	vld [tilespmem:s20+$0x70];
	_ =	sdelay $0x4  }
0x1c0: {  	v18 =	vshll.u32 v18, $0x7  }
0x1c1: {  	v18 =	vor.u32 v9, v18;
	_ =	sdelay $0x4  }
0x1c2: {  	[tilespmem:v18+s14+$0x0] =	vst.idx.msk $0xffff, v2  }
0x1c3: {  	v18 =	vld [tilespmem:s20+$0x80];
	_ =	sdelay $0x4  }
0x1c4: {  	v18 =	vshll.u32 v18, $0x7  }
0x1c5: {  	v18 =	vadd.s32 v10, v18;
	_ =	sdelay $0x4  }
0x1c6: {  	[tilespmem:v18+s14+$0x0] =	vst.idx.msk $0xffff, v2  }
0x1c7: {  	v18 =	vld [tilespmem:s20+$0x90];
	_ =	sdelay $0x4  }
0x1c8: {  	v18 =	vshll.u32 v18, $0x7  }
0x1c9: {  	v18 =	vadd.s32 v11, v18;
	_ =	sdelay $0x4  }
0x1ca: {  	[tilespmem:v18+s14+$0x0] =	vst.idx.msk $0xffff, v2  }
0x1cb: {  	v18 =	vld [tilespmem:s20+$0xA0];
	_ =	sdelay $0x4  }
0x1cc: {  	v18 =	vshll.u32 v18, $0x7  }
0x1cd: {  	v18 =	vadd.s32 v12, v18;
	_ =	sdelay $0x4  }
0x1ce: {  	[tilespmem:v18+s14+$0x0] =	vst.idx.msk $0xffff, v2  }
0x1cf: {  	v18 =	vld [tilespmem:s20+$0xB0];
	_ =	sdelay $0x4  }
0x1d0: {  	v18 =	vshll.u32 v18, $0x7  }
0x1d1: {  	v18 =	vadd.s32 v13, v18;
	_ =	sdelay $0x4  }
0x1d2: {  	[tilespmem:v18+s14+$0x0] =	vst.idx.msk $0xffff, v2  }
0x1d3: {  	v18 =	vld [tilespmem:s20+$0xC0];
	_ =	sdelay $0x4  }
0x1d4: {  	v18 =	vshll.u32 v18, $0x7  }
0x1d5: {  	v18 =	vadd.s32 v14, v18;
	_ =	sdelay $0x4  }
0x1d6: {  	[tilespmem:v18+s14+$0x0] =	vst.idx.msk $0xffff, v2  }
0x1d7: {  	v18 =	vld [tilespmem:s20+$0xD0];
	_ =	sdelay $0x4  }
0x1d8: {  	v18 =	vshll.u32 v18, $0x7  }
0x1d9: {  	v18 =	vadd.s32 v15, v18;
	_ =	sdelay $0x4  }
0x1da: {  	[tilespmem:v18+s14+$0x0] =	vst.idx.msk $0xffff, v2  }
0x1db: {  	v18 =	vld [tilespmem:s20+$0xE0];
	_ =	sdelay $0x4  }
0x1dc: {  	v18 =	vshll.u32 v18, $0x7  }
0x1dd: {  	v18 =	vadd.s32 v16, v18;
	_ =	sdelay $0x4  }
0x1de: {  	[tilespmem:v18+s14+$0x0] =	vst.idx.msk $0xffff, v2  }
0x1df: {  	v18 =	vld [tilespmem:s20+$0xF0];
	_ =	sdelay $0x4  }
0x1e0: {  	v18 =	vshll.u32 v18, $0x7  }
0x1e1: {  	s19 =	sand.u32 $0xFF, s19;
	v18 =	vadd.s32 v17, v18  }
0x1e2: {  	p0 =	sne.s32 s17, $0x19;
	s18 =	sadd.s32 s18, s7;
	s19 =	smul.u32 $0x320000, s19  }
.Ltmp2:
0x1e3: {  	s18 =	sshll.u32 s18, $0xA;
	(pc) =	sbr.rel @p0 .LBB2_6-.Ltmp2, $4  }
0x1e4: {  	s18 =	sadd.s32 s19, s18  }
0x1e5: {  	s18 =	sshrl.u32 s18, $0x3  }
0x1e6: {  	s17 =	sadd.s32 $0x1, s17;
	s18 =	sadd.s32 s2, s18;
	[tilespmem:v18+s14+$0x0] =	vst.idx.msk $0xffff, v2  }
0x1e7: {  	[hbm4b:s18+s13] =	stream.strided.scatter [tilespmem:s14], [sflag:$0x2], $0x6400, s10, s13, $0x38;
	[tilespmem:$0x10800] =	vst v63  }
0x1e8: {  	s16 =	sadd.s32 $0x1, s16  }
0x1e9: {  	_ =	swait.ge [sflag:s15], $0x6400;
	p0 =	sne.s32 s16, s8  }
.Ltmp3:
0x1ea: {  	[sflag:s15] =	ssyncset.done $0x0;
	(pc) =	sbr.rel @p0 .LBB2_1-.Ltmp3, $4  }
0x1eb: {  	[sflag:s15] =	ssyncadd.s32 $0xFFFF9C00  }
0x1ec: {  	_ =	swait.ge [sflag:s11], $0x6400  }
0x1ed: {  	[sflag:s11] =	ssyncset.done $0x0  }
0x1ee: {  	[sflag:s11] =	ssyncadd.s32 $0xFFFF9C00  }
0x1ef: {  	_ =	sfence.sel $0x180000  }
0x1f0: {  	[bflag:$0x0] =	sbarrier.arrive $0xFFFF  }
0x1f1: {  	p0 =	sne.s32 s1, $0x0;
	_ =	strace $0x90000047  }
0x1f2: {  	s0 =	sadd.s32 @!p0 $0x100000, s0;
	[bflag:$0x2] =	sbarrier.arrive $0xFFFF  }
0x1f3: {  	[sflag:s0] =	ssyncadd.tile.s32 @!p0 $0x1;
	_ =	shalt  }
.Lfunc_end2:
_tile_overlayer_lowered:
.L_overlay_start_2:
0x1f4: {  	(tag) =	ssettag $0x2  }
0x1f5: {  	s0 =	rddreg [dreg:$0x0];
	s2 =	stileid.u32  }
0x1f6: {  	s1 =	rddreg [dreg:$0x1];
	p0 =	sne.s32 s2, $0x0  }
0x1f7: {  	s3 =	rddreg [dreg:$0x2];
	[bflag:$0x3] =	sbarrier.arrive $0xFFFF;
	s2 =	simm.s32 @!p0 $0x1C03  }
0x1f8: {  	[timem:s3], [sflag:s2] =	dma.local @!p0 [hbm:s0], s1  }
0x1f9: {  	s0 =	simm.s32 @!p0 $0x3  }
0x1fa: {  	_ =	swait.ge @!p0 [sflag:s0], s1  }
0x1fb: {  	s1 =	ssub.s32 @!p0 $0x0, s1;
	[sflag:s0] =	ssyncset.done @!p0 $0x0  }
0x1fc: {  	[sflag:s0] =	ssyncadd.s32 @!p0 s1  }
0x1fd: {  	[bflag:$0x3] =	sbarrier.arrive $0xFFFF  }
0x1fe: {  	_ =	shalt  }

</sc_bundles>
